<compile_context>
chip_gen: v7x
topology: tpu7x:2x2x1
jax: 0.10.2.dev20260603
libtpu: 0.0.44.dev20260713+nightly
codegen_flags: <defaults>
</compile_context>

<pallas_src>
import functools

import jax
import jax.numpy as jnp
from jax import lax
from jax.experimental import pallas as pl
from jax.experimental.pallas import tpu as pltpu
from jax.experimental.pallas import tpu_sc as plsc

_CHUNK = 128
_NBUF = 6


@functools.lru_cache(maxsize=None)
def _make_kernel(NB: int, S: int, V: int, D: int):
    info = plsc.get_sparse_core_info()
    NC, NS = info.num_cores, info.num_subcores
    NW = NC * NS
    rows_per_w = (NB * S) // NW
    n_chunks = rows_per_w // _CHUNK
    wpb = S // rows_per_w
    mesh = plsc.VectorSubcoreMesh(core_axis_name="c", subcore_axis_name="s")

    @functools.partial(
        pl.kernel,
        out_type=jax.ShapeDtypeStruct((NB, S, D), jnp.float32),
        mesh=mesh,
        scratch_types=[
            pltpu.VMEM_SHARED((NS * V, D), jnp.float32),
            pltpu.VMEM((rows_per_w,), jnp.int32),
            pltpu.VMEM((_NBUF, _CHUNK, D), jnp.float32),
            pltpu.SemaphoreType.DMA,
            pltpu.SemaphoreType.DMA,
            [pltpu.SemaphoreType.DMA] * _NBUF,
            [pltpu.SemaphoreType.DMA] * _NBUF,
        ],
    )
    def k(ids_hbm, table_hbm, out_hbm, tab_sh, idx_v, bufs, sem_tab,
          sem_ids, gsems, wsems):
        cid = lax.axis_index("c")
        sid = lax.axis_index("s")
        wid = sid * NC + cid
        b = wid // wpb
        col = (wid % wpb) * rows_per_w
        ids_cp = pltpu.async_copy(
            ids_hbm.at[b, pl.ds(col, rows_per_w)], idx_v, sem_ids
        )
        off = sid * V
        tab_cp = pltpu.async_copy(
            table_hbm, tab_sh.at[pl.ds(off, V)], sem_tab
        )
        ids_cp.wait()
        tab_cp.wait()
        tab_w = tab_sh.at[pl.ds(off, V)]

        def gather(c):
            return pltpu.async_copy(
                tab_w.at[idx_v.at[pl.ds(c * _CHUNK, _CHUNK)]],
                bufs.at[c % _NBUF],
                gsems[c % _NBUF],
            )

        gcp = [None] * n_chunks
        wcp = [None] * n_chunks
        for c in range(min(_NBUF, n_chunks)):
            gcp[c] = gather(c)
        for c in range(n_chunks):
            if c >= _NBUF:
                wcp[c - _NBUF].wait()
                gcp[c] = gather(c)
            gcp[c].wait()
            wcp[c] = pltpu.async_copy(
                bufs.at[c % _NBUF],
                out_hbm.at[b, pl.ds(col + c * _CHUNK, _CHUNK)],
                wsems[c % _NBUF],
            )
        for c in range(max(0, n_chunks - _NBUF), n_chunks):
            wcp[c].wait()

    return k


def kernel(ids, table):
    NB, S = ids.shape
    V, D = table.shape
    k = _make_kernel(NB, S, V, D)
    return k(ids.astype(jnp.int32), table.astype(jnp.float32))

# --- scband reference (transcript-rebuilt; emitter-appended) ---
"""Pipeline reference for scband-dnatoken-embedding-41145786695925 (READ-ONLY COPY).

The authoritative reference and input builder live on the scoring server;
editing this copy changes nothing except your own understanding.
"""

import jax, jax.numpy as jnp
import numpy as np

D_MODEL = 128
VOCAB = 6

def setup_inputs(seed: int = 0) -> dict:
    key = jax.random.key(seed)
    k_ids, k_tab = jax.random.split(key)
    ids = jax.random.randint(k_ids, (4, 8192), 0, VOCAB, dtype=jnp.int64 if jax.config.read('jax_enable_x64') else jnp.int32)
    table = jax.random.normal(k_tab, (VOCAB, D_MODEL), dtype=jnp.float32)
    return {"ids": ids, "table": table}

def reference(ids, table):
    # nn.Embedding forward: row gather from the embedding table
    return jnp.take(table, ids, axis=0)

if __name__ == "__main__":
    import jax
    _d = setup_inputs()
    print(jax.jit(kernel)(*tuple(_d.values())))

</pallas_src>

<mosaic_0001>
#map = affine_map<(d0, d1) -> (0, 0)>
#map1 = affine_map<(d0, d1) -> (0, 0, 0)>
module attributes {stable_mosaic.version = 14 : i64} {
  func.func @k(%arg0: i32, %arg1: i32, %arg2: memref<4x8192xi32, #tpu.memory_space<hbm>>, %arg3: memref<6x128xf32, #tpu.memory_space<hbm>>, %arg4: memref<4x8192x128xf32, #tpu.memory_space<hbm>>, %arg5: memref<96x128xf32, #tpu.memory_space<vmem_shared>>, %arg6: memref<1024xi32, #tpu.memory_space<vmem>>, %arg7: memref<6x128x128xf32, #tpu.memory_space<vmem>>, %arg8: memref<!tpu.dma_semaphore, #tpu.memory_space<semaphore_mem>>, %arg9: memref<!tpu.dma_semaphore, #tpu.memory_space<semaphore_mem>>, %arg10: memref<!tpu.dma_semaphore, #tpu.memory_space<semaphore_mem>>, %arg11: memref<!tpu.dma_semaphore, #tpu.memory_space<semaphore_mem>>, %arg12: memref<!tpu.dma_semaphore, #tpu.memory_space<semaphore_mem>>, %arg13: memref<!tpu.dma_semaphore, #tpu.memory_space<semaphore_mem>>, %arg14: memref<!tpu.dma_semaphore, #tpu.memory_space<semaphore_mem>>, %arg15: memref<!tpu.dma_semaphore, #tpu.memory_space<semaphore_mem>>, %arg16: memref<!tpu.dma_semaphore, #tpu.memory_space<semaphore_mem>>, %arg17: memref<!tpu.dma_semaphore, #tpu.memory_space<semaphore_mem>>, %arg18: memref<!tpu.dma_semaphore, #tpu.memory_space<semaphore_mem>>, %arg19: memref<!tpu.dma_semaphore, #tpu.memory_space<semaphore_mem>>, %arg20: memref<!tpu.dma_semaphore, #tpu.memory_space<semaphore_mem>>, %arg21: memref<!tpu.dma_semaphore, #tpu.memory_space<semaphore_mem>>) attributes {dimension_semantics = [#tpu.dimension_semantics<core_parallel>, #tpu.dimension_semantics<subcore_parallel>], iteration_bounds = array<i64: 2, 16>, scalar_prefetch = 0 : i64, scratch_operands = 17 : i64, tpu.core_type = #tpu.core_type<sc_vector_subcore>, window_params = [{transform_indices = #map}, {transform_indices = #map}, {transform_indices = #map1}]} {
    %mul3A = arith.constant 2 : i32
    %mul3A_0 = arith.muli %arg1, %mul3A : i32
    %add3A = arith.addi %mul3A_0, %arg0 : i32
    %jit3A = arith.constant 8 : i32
    %div3A = arith.divsi %add3A, %jit3A : i32
    %sign3A = arith.constant 0 : i32
    %sign3A_1 = arith.cmpi sgt, %add3A, %sign3A : i32
    %sign3A_2 = arith.extui %sign3A_1 : i1 to i32
    %sign3A_3 = arith.constant 0 : i32
    %sign3A_4 = arith.cmpi slt, %add3A, %sign3A_3 : i32
    %sign3A_5 = arith.extui %sign3A_4 : i1 to i32
    %sign3A_6 = arith.subi %sign3A_2, %sign3A_5 : i32
    %sign3A_7 = arith.constant 0 : i32
    %sign3A_8 = arith.cmpi sgt, %jit3A, %sign3A_7 : i32
    %sign3A_9 = arith.extui %sign3A_8 : i1 to i32
    %sign3A_10 = arith.constant 0 : i32
    %sign3A_11 = arith.cmpi slt, %jit3A, %sign3A_10 : i32
    %sign3A_12 = arith.extui %sign3A_11 : i1 to i32
    %sign3A_13 = arith.subi %sign3A_9, %sign3A_12 : i32
    %ne3A = arith.cmpi ne, %sign3A_6, %sign3A_13 : i32
    %rem3A = arith.remsi %add3A, %jit3A : i32
    %ne3A_14 = arith.constant 0 : i32
    %ne3A_15 = arith.cmpi ne, %rem3A, %ne3A_14 : i32
    %and3A = arith.andi %ne3A, %ne3A_15 : i1
    %sub3A = arith.constant 1 : i32
    %sub3A_16 = arith.subi %div3A, %sub3A : i32
    %select_n3A = arith.select %and3A, %sub3A_16, %div3A : i32
    %jit3A_17 = arith.constant 8 : i32
    %eq3A = arith.constant 0 : i32
    %eq3A_18 = arith.cmpi eq, %jit3A_17, %eq3A : i32
    %jit3A_19 = arith.constant 1 : i32
    %select_n3A_20 = arith.select %eq3A_18, %jit3A_19, %jit3A_17 : i32
    %rem3A_21 = arith.remsi %add3A, %select_n3A_20 : i32
    %ne3A_22 = arith.constant 0 : i32
    %ne3A_23 = arith.cmpi ne, %rem3A_21, %ne3A_22 : i32
    %lt3A = arith.constant 0 : i32
    %lt3A_24 = arith.cmpi slt, %rem3A_21, %lt3A : i32
    %lt3A_25 = arith.constant 0 : i32
    %lt3A_26 = arith.cmpi slt, %select_n3A_20, %lt3A_25 : i32
    %ne3A_27 = arith.xori %lt3A_24, %lt3A_26 : i1
    %and3A_28 = arith.andi %ne3A_27, %ne3A_23 : i1
    %add3A_29 = arith.addi %rem3A_21, %select_n3A_20 : i32
    %select_n3A_30 = arith.select %and3A_28, %add3A_29, %rem3A_21 : i32
    %mul3A_31 = arith.constant 1024 : i32
    %mul3A_32 = arith.muli %select_n3A_30, %mul3A_31 : i32
    %dma_start3A = tpu.memref_slice %arg2[%select_n3A, %mul3A_32] : memref<4x8192xi32, #tpu.memory_space<hbm>> -> memref<1x1024xi32, #tpu.memory_space<hbm>>
    %dma_start3A_33 = tpu.memref_squeeze %dma_start3A : memref<1x1024xi32, #tpu.memory_space<hbm>> -> memref<1024xi32, #tpu.memory_space<hbm>>
    %dma_start3A_34 = tpu.memref_slice %arg2[%select_n3A, %mul3A_32] : memref<4x8192xi32, #tpu.memory_space<hbm>> -> memref<1x1024xi32, #tpu.memory_space<hbm>>
    %dma_start3A_35 = tpu.memref_squeeze %dma_start3A_34 : memref<1x1024xi32, #tpu.memory_space<hbm>> -> memref<1024xi32, #tpu.memory_space<hbm>>
    tpu.enqueue_dma source(%dma_start3A_35 : memref<1024xi32, #tpu.memory_space<hbm>>) target(%arg6 : memref<1024xi32, #tpu.memory_space<vmem>>) target_semaphore(%arg9 : memref<!tpu.dma_semaphore, #tpu.memory_space<semaphore_mem>>)
    %mul3A_36 = arith.constant 6 : i32
    %mul3A_37 = arith.muli %arg1, %mul3A_36 : i32
    %dma_start3A_38 = arith.constant 0 : i32
    %dma_start3A_39 = tpu.memref_slice %arg5[%mul3A_37, %dma_start3A_38] : memref<96x128xf32, #tpu.memory_space<vmem_shared>> -> memref<6x128xf32, #tpu.memory_space<vmem_shared>>
    tpu.enqueue_dma source(%arg3 : memref<6x128xf32, #tpu.memory_space<hbm>>) target(%dma_start3A_39 : memref<6x128xf32, #tpu.memory_space<vmem_shared>>) target_semaphore(%arg8 : memref<!tpu.dma_semaphore, #tpu.memory_space<semaphore_mem>>)
    %dma_wait3A = tpu.memref_slice %arg2[%select_n3A, %mul3A_32] : memref<4x8192xi32, #tpu.memory_space<hbm>> -> memref<1x1024xi32, #tpu.memory_space<hbm>>
    %dma_wait3A_40 = tpu.memref_squeeze %dma_wait3A : memref<1x1024xi32, #tpu.memory_space<hbm>> -> memref<1024xi32, #tpu.memory_space<hbm>>
    %dma_wait3A_41 = tpu.memref_slice %arg2[%select_n3A, %mul3A_32] : memref<4x8192xi32, #tpu.memory_space<hbm>> -> memref<1x1024xi32, #tpu.memory_space<hbm>>
    %dma_wait3A_42 = tpu.memref_squeeze %dma_wait3A_41 : memref<1x1024xi32, #tpu.memory_space<hbm>> -> memref<1024xi32, #tpu.memory_space<hbm>>
    tpu.wait_dma2 semaphore(%arg9 : memref<!tpu.dma_semaphore, #tpu.memory_space<semaphore_mem>>) src(%dma_wait3A_42 : memref<1024xi32, #tpu.memory_space<hbm>>) dst(%arg6 : memref<1024xi32, #tpu.memory_space<vmem>>)
    %dma_wait3A_43 = arith.constant 0 : i32
    %dma_wait3A_44 = tpu.memref_slice %arg5[%mul3A_37, %dma_wait3A_43] : memref<96x128xf32, #tpu.memory_space<vmem_shared>> -> memref<6x128xf32, #tpu.memory_space<vmem_shared>>
    tpu.wait_dma2 semaphore(%arg8 : memref<!tpu.dma_semaphore, #tpu.memory_space<semaphore_mem>>) src(%arg3 : memref<6x128xf32, #tpu.memory_space<hbm>>) dst(%dma_wait3A_44 : memref<6x128xf32, #tpu.memory_space<vmem_shared>>)
    %dma_start3A_45 = arith.constant 0 : i32
    %dma_start3A_46 = arith.constant 0 : i32
    %dma_start3A_47 = arith.constant 0 : i32
    %dma_start3A_48 = tpu.memref_slice %arg7[%dma_start3A_45, %dma_start3A_46, %dma_start3A_47] : memref<6x128x128xf32, #tpu.memory_space<vmem>> -> memref<1x128x128xf32, #tpu.memory_space<vmem>>
    %dma_start3A_49 = tpu.memref_squeeze %dma_start3A_48 : memref<1x128x128xf32, #tpu.memory_space<vmem>> -> memref<128x128xf32, #tpu.memory_space<vmem>>
    %dma_start3A_50 = arith.constant 0 : i32
    %dma_start3A_51 = tpu.memref_slice %arg6[%dma_start3A_50] : memref<1024xi32, #tpu.memory_space<vmem>> -> memref<128xi32, #tpu.memory_space<vmem>>
    %dma_start3A_52 = arith.constant 0 : i32
    %dma_start3A_53 = tpu.memref_slice %arg5[%mul3A_37, %dma_start3A_52] : memref<96x128xf32, #tpu.memory_space<vmem_shared>> -> memref<6x128xf32, #tpu.memory_space<vmem_shared>>
    %dma_start3A_54 = arith.constant 0 : i32
    %dma_start3A_55 = arith.constant 0 : i32
    %dma_start3A_56 = tpu.memref_slice %dma_start3A_53[%dma_start3A_54, %dma_start3A_55] : memref<6x128xf32, #tpu.memory_space<vmem_shared>> -> memref<6x128xf32, #tpu.memory_space<vmem_shared>>
    tpu.enqueue_indirect_dma source(%dma_start3A_56 : memref<6x128xf32, #tpu.memory_space<vmem_shared>>) target(%dma_start3A_49 : memref<128x128xf32, #tpu.memory_space<vmem>>) offsets(%dma_start3A_51 : memref<128xi32, #tpu.memory_space<vmem>>) semaphore(%arg10 : memref<!tpu.dma_semaphore, #tpu.memory_space<semaphore_mem>>)
    %dma_start3A_57 = arith.constant 1 : i32
    %dma_start3A_58 = arith.constant 0 : i32
    %dma_start3A_59 = arith.constant 0 : i32
    %dma_start3A_60 = tpu.memref_slice %arg7[%dma_start3A_57, %dma_start3A_58, %dma_start3A_59] : memref<6x128x128xf32, #tpu.memory_space<vmem>> -> memref<1x128x128xf32, #tpu.memory_space<vmem>>
    %dma_start3A_61 = tpu.memref_squeeze %dma_start3A_60 : memref<1x128x128xf32, #tpu.memory_space<vmem>> -> memref<128x128xf32, #tpu.memory_space<vmem>>
    %dma_start3A_62 = arith.constant 128 : i32
    %dma_start3A_63 = tpu.memref_slice %arg6[%dma_start3A_62] : memref<1024xi32, #tpu.memory_space<vmem>> -> memref<128xi32, #tpu.memory_space<vmem>>
    %dma_start3A_64 = arith.constant 0 : i32
    %dma_start3A_65 = tpu.memref_slice %arg5[%mul3A_37, %dma_start3A_64] : memref<96x128xf32, #tpu.memory_space<vmem_shared>> -> memref<6x128xf32, #tpu.memory_space<vmem_shared>>
    %dma_start3A_66 = arith.constant 0 : i32
    %dma_start3A_67 = arith.constant 0 : i32
    %dma_start3A_68 = tpu.memref_slice %dma_start3A_65[%dma_start3A_66, %dma_start3A_67] : memref<6x128xf32, #tpu.memory_space<vmem_shared>> -> memref<6x128xf32, #tpu.memory_space<vmem_shared>>
    tpu.enqueue_indirect_dma source(%dma_start3A_68 : memref<6x128xf32, #tpu.memory_space<vmem_shared>>) target(%dma_start3A_61 : memref<128x128xf32, #tpu.memory_space<vmem>>) offsets(%dma_start3A_63 : memref<128xi32, #tpu.memory_space<vmem>>) semaphore(%arg11 : memref<!tpu.dma_semaphore, #tpu.memory_space<semaphore_mem>>)
    %dma_start3A_69 = arith.constant 2 : i32
    %dma_start3A_70 = arith.constant 0 : i32
    %dma_start3A_71 = arith.constant 0 : i32
    %dma_start3A_72 = tpu.memref_slice %arg7[%dma_start3A_69, %dma_start3A_70, %dma_start3A_71] : memref<6x128x128xf32, #tpu.memory_space<vmem>> -> memref<1x128x128xf32, #tpu.memory_space<vmem>>
    %dma_start3A_73 = tpu.memref_squeeze %dma_start3A_72 : memref<1x128x128xf32, #tpu.memory_space<vmem>> -> memref<128x128xf32, #tpu.memory_space<vmem>>
    %dma_start3A_74 = arith.constant 256 : i32
    %dma_start3A_75 = tpu.memref_slice %arg6[%dma_start3A_74] : memref<1024xi32, #tpu.memory_space<vmem>> -> memref<128xi32, #tpu.memory_space<vmem>>
    %dma_start3A_76 = arith.constant 0 : i32
    %dma_start3A_77 = tpu.memref_slice %arg5[%mul3A_37, %dma_start3A_76] : memref<96x128xf32, #tpu.memory_space<vmem_shared>> -> memref<6x128xf32, #tpu.memory_space<vmem_shared>>
    %dma_start3A_78 = arith.constant 0 : i32
    %dma_start3A_79 = arith.constant 0 : i32
    %dma_start3A_80 = tpu.memref_slice %dma_start3A_77[%dma_start3A_78, %dma_start3A_79] : memref<6x128xf32, #tpu.memory_space<vmem_shared>> -> memref<6x128xf32, #tpu.memory_space<vmem_shared>>
    tpu.enqueue_indirect_dma source(%dma_start3A_80 : memref<6x128xf32, #tpu.memory_space<vmem_shared>>) target(%dma_start3A_73 : memref<128x128xf32, #tpu.memory_space<vmem>>) offsets(%dma_start3A_75 : memref<128xi32, #tpu.memory_space<vmem>>) semaphore(%arg12 : memref<!tpu.dma_semaphore, #tpu.memory_space<semaphore_mem>>)
    %dma_start3A_81 = arith.constant 3 : i32
    %dma_start3A_82 = arith.constant 0 : i32
    %dma_start3A_83 = arith.constant 0 : i32
    %dma_start3A_84 = tpu.memref_slice %arg7[%dma_start3A_81, %dma_start3A_82, %dma_start3A_83] : memref<6x128x128xf32, #tpu.memory_space<vmem>> -> memref<1x128x128xf32, #tpu.memory_space<vmem>>
    %dma_start3A_85 = tpu.memref_squeeze %dma_start3A_84 : memref<1x128x128xf32, #tpu.memory_space<vmem>> -> memref<128x128xf32, #tpu.memory_space<vmem>>
    %dma_start3A_86 = arith.constant 384 : i32
    %dma_start3A_87 = tpu.memref_slice %arg6[%dma_start3A_86] : memref<1024xi32, #tpu.memory_space<vmem>> -> memref<128xi32, #tpu.memory_space<vmem>>
    %dma_start3A_88 = arith.constant 0 : i32
    %dma_start3A_89 = tpu.memref_slice %arg5[%mul3A_37, %dma_start3A_88] : memref<96x128xf32, #tpu.memory_space<vmem_shared>> -> memref<6x128xf32, #tpu.memory_space<vmem_shared>>
    %dma_start3A_90 = arith.constant 0 : i32
    %dma_start3A_91 = arith.constant 0 : i32
    %dma_start3A_92 = tpu.memref_slice %dma_start3A_89[%dma_start3A_90, %dma_start3A_91] : memref<6x128xf32, #tpu.memory_space<vmem_shared>> -> memref<6x128xf32, #tpu.memory_space<vmem_shared>>
    tpu.enqueue_indirect_dma source(%dma_start3A_92 : memref<6x128xf32, #tpu.memory_space<vmem_shared>>) target(%dma_start3A_85 : memref<128x128xf32, #tpu.memory_space<vmem>>) offsets(%dma_start3A_87 : memref<128xi32, #tpu.memory_space<vmem>>) semaphore(%arg13 : memref<!tpu.dma_semaphore, #tpu.memory_space<semaphore_mem>>)
    %dma_start3A_93 = arith.constant 4 : i32
    %dma_start3A_94 = arith.constant 0 : i32
    %dma_start3A_95 = arith.constant 0 : i32
    %dma_start3A_96 = tpu.memref_slice %arg7[%dma_start3A_93, %dma_start3A_94, %dma_start3A_95] : memref<6x128x128xf32, #tpu.memory_space<vmem>> -> memref<1x128x128xf32, #tpu.memory_space<vmem>>
    %dma_start3A_97 = tpu.memref_squeeze %dma_start3A_96 : memref<1x128x128xf32, #tpu.memory_space<vmem>> -> memref<128x128xf32, #tpu.memory_space<vmem>>
    %dma_start3A_98 = arith.constant 512 : i32
    %dma_start3A_99 = tpu.memref_slice %arg6[%dma_start3A_98] : memref<1024xi32, #tpu.memory_space<vmem>> -> memref<128xi32, #tpu.memory_space<vmem>>
    %dma_start3A_100 = arith.constant 0 : i32
    %dma_start3A_101 = tpu.memref_slice %arg5[%mul3A_37, %dma_start3A_100] : memref<96x128xf32, #tpu.memory_space<vmem_shared>> -> memref<6x128xf32, #tpu.memory_space<vmem_shared>>
    %dma_start3A_102 = arith.constant 0 : i32
    %dma_start3A_103 = arith.constant 0 : i32
    %dma_start3A_104 = tpu.memref_slice %dma_start3A_101[%dma_start3A_102, %dma_start3A_103] : memref<6x128xf32, #tpu.memory_space<vmem_shared>> -> memref<6x128xf32, #tpu.memory_space<vmem_shared>>
    tpu.enqueue_indirect_dma source(%dma_start3A_104 : memref<6x128xf32, #tpu.memory_space<vmem_shared>>) target(%dma_start3A_97 : memref<128x128xf32, #tpu.memory_space<vmem>>) offsets(%dma_start3A_99 : memref<128xi32, #tpu.memory_space<vmem>>) semaphore(%arg14 : memref<!tpu.dma_semaphore, #tpu.memory_space<semaphore_mem>>)
    %dma_start3A_105 = arith.constant 5 : i32
    %dma_start3A_106 = arith.constant 0 : i32
    %dma_start3A_107 = arith.constant 0 : i32
    %dma_start3A_108 = tpu.memref_slice %arg7[%dma_start3A_105, %dma_start3A_106, %dma_start3A_107] : memref<6x128x128xf32, #tpu.memory_space<vmem>> -> memref<1x128x128xf32, #tpu.memory_space<vmem>>
    %dma_start3A_109 = tpu.memref_squeeze %dma_start3A_108 : memref<1x128x128xf32, #tpu.memory_space<vmem>> -> memref<128x128xf32, #tpu.memory_space<vmem>>
    %dma_start3A_110 = arith.constant 640 : i32
    %dma_start3A_111 = tpu.memref_slice %arg6[%dma_start3A_110] : memref<1024xi32, #tpu.memory_space<vmem>> -> memref<128xi32, #tpu.memory_space<vmem>>
    %dma_start3A_112 = arith.constant 0 : i32
    %dma_start3A_113 = tpu.memref_slice %arg5[%mul3A_37, %dma_start3A_112] : memref<96x128xf32, #tpu.memory_space<vmem_shared>> -> memref<6x128xf32, #tpu.memory_space<vmem_shared>>
    %dma_start3A_114 = arith.constant 0 : i32
    %dma_start3A_115 = arith.constant 0 : i32
    %dma_start3A_116 = tpu.memref_slice %dma_start3A_113[%dma_start3A_114, %dma_start3A_115] : memref<6x128xf32, #tpu.memory_space<vmem_shared>> -> memref<6x128xf32, #tpu.memory_space<vmem_shared>>
    tpu.enqueue_indirect_dma source(%dma_start3A_116 : memref<6x128xf32, #tpu.memory_space<vmem_shared>>) target(%dma_start3A_109 : memref<128x128xf32, #tpu.memory_space<vmem>>) offsets(%dma_start3A_111 : memref<128xi32, #tpu.memory_space<vmem>>) semaphore(%arg15 : memref<!tpu.dma_semaphore, #tpu.memory_space<semaphore_mem>>)
    %dma_wait3A_117 = arith.constant 0 : i32
    %dma_wait3A_118 = arith.constant 0 : i32
    %dma_wait3A_119 = arith.constant 0 : i32
    %dma_wait3A_120 = tpu.memref_slice %arg7[%dma_wait3A_117, %dma_wait3A_118, %dma_wait3A_119] : memref<6x128x128xf32, #tpu.memory_space<vmem>> -> memref<1x128x128xf32, #tpu.memory_space<vmem>>
    %dma_wait3A_121 = tpu.memref_squeeze %dma_wait3A_120 : memref<1x128x128xf32, #tpu.memory_space<vmem>> -> memref<128x128xf32, #tpu.memory_space<vmem>>
    %dma_wait3A_122 = arith.constant 0 : i32
    %dma_wait3A_123 = tpu.memref_slice %arg6[%dma_wait3A_122] : memref<1024xi32, #tpu.memory_space<vmem>> -> memref<128xi32, #tpu.memory_space<vmem>>
    %dma_wait3A_124 = arith.constant 0 : i32
    %dma_wait3A_125 = tpu.memref_slice %arg5[%mul3A_37, %dma_wait3A_124] : memref<96x128xf32, #tpu.memory_space<vmem_shared>> -> memref<6x128xf32, #tpu.memory_space<vmem_shared>>
    %dma_wait3A_126 = arith.constant 0 : i32
    %dma_wait3A_127 = arith.constant 0 : i32
    %dma_wait3A_128 = tpu.memref_slice %dma_wait3A_125[%dma_wait3A_126, %dma_wait3A_127] : memref<6x128xf32, #tpu.memory_space<vmem_shared>> -> memref<6x128xf32, #tpu.memory_space<vmem_shared>>
    tpu.wait_indirect_dma semaphore(%arg10 : memref<!tpu.dma_semaphore, #tpu.memory_space<semaphore_mem>>) src(%dma_wait3A_128 : memref<6x128xf32, #tpu.memory_space<vmem_shared>>) dst(%dma_wait3A_121 : memref<128x128xf32, #tpu.memory_space<vmem>>)
    %add3A_129 = arith.constant 0 : i32
    %add3A_130 = arith.addi %mul3A_32, %add3A_129 : i32
    %dma_start3A_131 = arith.constant 0 : i32
    %dma_start3A_132 = arith.constant 0 : i32
    %dma_start3A_133 = arith.constant 0 : i32
    %dma_start3A_134 = tpu.memref_slice %arg7[%dma_start3A_131, %dma_start3A_132, %dma_start3A_133] : memref<6x128x128xf32, #tpu.memory_space<vmem>> -> memref<1x128x128xf32, #tpu.memory_space<vmem>>
    %dma_start3A_135 = tpu.memref_squeeze %dma_start3A_134 : memref<1x128x128xf32, #tpu.memory_space<vmem>> -> memref<128x128xf32, #tpu.memory_space<vmem>>
    %dma_start3A_136 = arith.constant 0 : i32
    %dma_start3A_137 = tpu.memref_slice %arg4[%select_n3A, %add3A_130, %dma_start3A_136] : memref<4x8192x128xf32, #tpu.memory_space<hbm>> -> memref<1x128x128xf32, #tpu.memory_space<hbm>>
    %dma_start3A_138 = tpu.memref_squeeze %dma_start3A_137 : memref<1x128x128xf32, #tpu.memory_space<hbm>> -> memref<128x128xf32, #tpu.memory_space<hbm>>
    %dma_start3A_139 = arith.constant 0 : i32
    %dma_start3A_140 = tpu.memref_slice %arg4[%select_n3A, %add3A_130, %dma_start3A_139] : memref<4x8192x128xf32, #tpu.memory_space<hbm>> -> memref<1x128x128xf32, #tpu.memory_space<hbm>>
    %dma_start3A_141 = tpu.memref_squeeze %dma_start3A_140 : memref<1x128x128xf32, #tpu.memory_space<hbm>> -> memref<128x128xf32, #tpu.memory_space<hbm>>
    %dma_start3A_142 = arith.constant 0 : i32
    %dma_start3A_143 = arith.constant 0 : i32
    %dma_start3A_144 = tpu.memref_slice %arg7[%dma_start3A_131, %dma_start3A_142, %dma_start3A_143] : memref<6x128x128xf32, #tpu.memory_space<vmem>> -> memref<1x128x128xf32, #tpu.memory_space<vmem>>
    %dma_start3A_145 = tpu.memref_squeeze %dma_start3A_144 : memref<1x128x128xf32, #tpu.memory_space<vmem>> -> memref<128x128xf32, #tpu.memory_space<vmem>>
    tpu.enqueue_dma source(%dma_start3A_145 : memref<128x128xf32, #tpu.memory_space<vmem>>) target(%dma_start3A_141 : memref<128x128xf32, #tpu.memory_space<hbm>>) target_semaphore(%arg16 : memref<!tpu.dma_semaphore, #tpu.memory_space<semaphore_mem>>)
    %dma_wait3A_146 = arith.constant 1 : i32
    %dma_wait3A_147 = arith.constant 0 : i32
    %dma_wait3A_148 = arith.constant 0 : i32
    %dma_wait3A_149 = tpu.memref_slice %arg7[%dma_wait3A_146, %dma_wait3A_147, %dma_wait3A_148] : memref<6x128x128xf32, #tpu.memory_space<vmem>> -> memref<1x128x128xf32, #tpu.memory_space<vmem>>
    %dma_wait3A_150 = tpu.memref_squeeze %dma_wait3A_149 : memref<1x128x128xf32, #tpu.memory_space<vmem>> -> memref<128x128xf32, #tpu.memory_space<vmem>>
    %dma_wait3A_151 = arith.constant 128 : i32
    %dma_wait3A_152 = tpu.memref_slice %arg6[%dma_wait3A_151] : memref<1024xi32, #tpu.memory_space<vmem>> -> memref<128xi32, #tpu.memory_space<vmem>>
    %dma_wait3A_153 = arith.constant 0 : i32
    %dma_wait3A_154 = tpu.memref_slice %arg5[%mul3A_37, %dma_wait3A_153] : memref<96x128xf32, #tpu.memory_space<vmem_shared>> -> memref<6x128xf32, #tpu.memory_space<vmem_shared>>
    %dma_wait3A_155 = arith.constant 0 : i32
    %dma_wait3A_156 = arith.constant 0 : i32
    %dma_wait3A_157 = tpu.memref_slice %dma_wait3A_154[%dma_wait3A_155, %dma_wait3A_156] : memref<6x128xf32, #tpu.memory_space<vmem_shared>> -> memref<6x128xf32, #tpu.memory_space<vmem_shared>>
    tpu.wait_indirect_dma semaphore(%arg11 : memref<!tpu.dma_semaphore, #tpu.memory_space<semaphore_mem>>) src(%dma_wait3A_157 : memref<6x128xf32, #tpu.memory_space<vmem_shared>>) dst(%dma_wait3A_150 : memref<128x128xf32, #tpu.memory_space<vmem>>)
    %add3A_158 = arith.constant 128 : i32
    %add3A_159 = arith.addi %mul3A_32, %add3A_158 : i32
    %dma_start3A_160 = arith.constant 1 : i32
    %dma_start3A_161 = arith.constant 0 : i32
    %dma_start3A_162 = arith.constant 0 : i32
    %dma_start3A_163 = tpu.memref_slice %arg7[%dma_start3A_160, %dma_start3A_161, %dma_start3A_162] : memref<6x128x128xf32, #tpu.memory_space<vmem>> -> memref<1x128x128xf32, #tpu.memory_space<vmem>>
    %dma_start3A_164 = tpu.memref_squeeze %dma_start3A_163 : memref<1x128x128xf32, #tpu.memory_space<vmem>> -> memref<128x128xf32, #tpu.memory_space<vmem>>
    %dma_start3A_165 = arith.constant 0 : i32
    %dma_start3A_166 = tpu.memref_slice %arg4[%select_n3A, %add3A_159, %dma_start3A_165] : memref<4x8192x128xf32, #tpu.memory_space<hbm>> -> memref<1x128x128xf32, #tpu.memory_space<hbm>>
    %dma_start3A_167 = tpu.memref_squeeze %dma_start3A_166 : memref<1x128x128xf32, #tpu.memory_space<hbm>> -> memref<128x128xf32, #tpu.memory_space<hbm>>
    %dma_start3A_168 = arith.constant 0 : i32
    %dma_start3A_169 = tpu.memref_slice %arg4[%select_n3A, %add3A_159, %dma_start3A_168] : memref<4x8192x128xf32, #tpu.memory_space<hbm>> -> memref<1x128x128xf32, #tpu.memory_space<hbm>>
    %dma_start3A_170 = tpu.memref_squeeze %dma_start3A_169 : memref<1x128x128xf32, #tpu.memory_space<hbm>> -> memref<128x128xf32, #tpu.memory_space<hbm>>
    %dma_start3A_171 = arith.constant 0 : i32
    %dma_start3A_172 = arith.constant 0 : i32
    %dma_start3A_173 = tpu.memref_slice %arg7[%dma_start3A_160, %dma_start3A_171, %dma_start3A_172] : memref<6x128x128xf32, #tpu.memory_space<vmem>> -> memref<1x128x128xf32, #tpu.memory_space<vmem>>
    %dma_start3A_174 = tpu.memref_squeeze %dma_start3A_173 : memref<1x128x128xf32, #tpu.memory_space<vmem>> -> memref<128x128xf32, #tpu.memory_space<vmem>>
    tpu.enqueue_dma source(%dma_start3A_174 : memref<128x128xf32, #tpu.memory_space<vmem>>) target(%dma_start3A_170 : memref<128x128xf32, #tpu.memory_space<hbm>>) target_semaphore(%arg17 : memref<!tpu.dma_semaphore, #tpu.memory_space<semaphore_mem>>)
    %dma_wait3A_175 = arith.constant 2 : i32
    %dma_wait3A_176 = arith.constant 0 : i32
    %dma_wait3A_177 = arith.constant 0 : i32
    %dma_wait3A_178 = tpu.memref_slice %arg7[%dma_wait3A_175, %dma_wait3A_176, %dma_wait3A_177] : memref<6x128x128xf32, #tpu.memory_space<vmem>> -> memref<1x128x128xf32, #tpu.memory_space<vmem>>
    %dma_wait3A_179 = tpu.memref_squeeze %dma_wait3A_178 : memref<1x128x128xf32, #tpu.memory_space<vmem>> -> memref<128x128xf32, #tpu.memory_space<vmem>>
    %dma_wait3A_180 = arith.constant 256 : i32
    %dma_wait3A_181 = tpu.memref_slice %arg6[%dma_wait3A_180] : memref<1024xi32, #tpu.memory_space<vmem>> -> memref<128xi32, #tpu.memory_space<vmem>>
    %dma_wait3A_182 = arith.constant 0 : i32
    %dma_wait3A_183 = tpu.memref_slice %arg5[%mul3A_37, %dma_wait3A_182] : memref<96x128xf32, #tpu.memory_space<vmem_shared>> -> memref<6x128xf32, #tpu.memory_space<vmem_shared>>
    %dma_wait3A_184 = arith.constant 0 : i32
    %dma_wait3A_185 = arith.constant 0 : i32
    %dma_wait3A_186 = tpu.memref_slice %dma_wait3A_183[%dma_wait3A_184, %dma_wait3A_185] : memref<6x128xf32, #tpu.memory_space<vmem_shared>> -> memref<6x128xf32, #tpu.memory_space<vmem_shared>>
    tpu.wait_indirect_dma semaphore(%arg12 : memref<!tpu.dma_semaphore, #tpu.memory_space<semaphore_mem>>) src(%dma_wait3A_186 : memref<6x128xf32, #tpu.memory_space<vmem_shared>>) dst(%dma_wait3A_179 : memref<128x128xf32, #tpu.memory_space<vmem>>)
    %add3A_187 = arith.constant 256 : i32
    %add3A_188 = arith.addi %mul3A_32, %add3A_187 : i32
    %dma_start3A_189 = arith.constant 2 : i32
    %dma_start3A_190 = arith.constant 0 : i32
    %dma_start3A_191 = arith.constant 0 : i32
    %dma_start3A_192 = tpu.memref_slice %arg7[%dma_start3A_189, %dma_start3A_190, %dma_start3A_191] : memref<6x128x128xf32, #tpu.memory_space<vmem>> -> memref<1x128x128xf32, #tpu.memory_space<vmem>>
    %dma_start3A_193 = tpu.memref_squeeze %dma_start3A_192 : memref<1x128x128xf32, #tpu.memory_space<vmem>> -> memref<128x128xf32, #tpu.memory_space<vmem>>
    %dma_start3A_194 = arith.constant 0 : i32
    %dma_start3A_195 = tpu.memref_slice %arg4[%select_n3A, %add3A_188, %dma_start3A_194] : memref<4x8192x128xf32, #tpu.memory_space<hbm>> -> memref<1x128x128xf32, #tpu.memory_space<hbm>>
    %dma_start3A_196 = tpu.memref_squeeze %dma_start3A_195 : memref<1x128x128xf32, #tpu.memory_space<hbm>> -> memref<128x128xf32, #tpu.memory_space<hbm>>
    %dma_start3A_197 = arith.constant 0 : i32
    %dma_start3A_198 = tpu.memref_slice %arg4[%select_n3A, %add3A_188, %dma_start3A_197] : memref<4x8192x128xf32, #tpu.memory_space<hbm>> -> memref<1x128x128xf32, #tpu.memory_space<hbm>>
    %dma_start3A_199 = tpu.memref_squeeze %dma_start3A_198 : memref<1x128x128xf32, #tpu.memory_space<hbm>> -> memref<128x128xf32, #tpu.memory_space<hbm>>
    %dma_start3A_200 = arith.constant 0 : i32
    %dma_start3A_201 = arith.constant 0 : i32
    %dma_start3A_202 = tpu.memref_slice %arg7[%dma_start3A_189, %dma_start3A_200, %dma_start3A_201] : memref<6x128x128xf32, #tpu.memory_space<vmem>> -> memref<1x128x128xf32, #tpu.memory_space<vmem>>
    %dma_start3A_203 = tpu.memref_squeeze %dma_start3A_202 : memref<1x128x128xf32, #tpu.memory_space<vmem>> -> memref<128x128xf32, #tpu.memory_space<vmem>>
    tpu.enqueue_dma source(%dma_start3A_203 : memref<128x128xf32, #tpu.memory_space<vmem>>) target(%dma_start3A_199 : memref<128x128xf32, #tpu.memory_space<hbm>>) target_semaphore(%arg18 : memref<!tpu.dma_semaphore, #tpu.memory_space<semaphore_mem>>)
    %dma_wait3A_204 = arith.constant 3 : i32
    %dma_wait3A_205 = arith.constant 0 : i32
    %dma_wait3A_206 = arith.constant 0 : i32
    %dma_wait3A_207 = tpu.memref_slice %arg7[%dma_wait3A_204, %dma_wait3A_205, %dma_wait3A_206] : memref<6x128x128xf32, #tpu.memory_space<vmem>> -> memref<1x128x128xf32, #tpu.memory_space<vmem>>
    %dma_wait3A_208 = tpu.memref_squeeze %dma_wait3A_207 : memref<1x128x128xf32, #tpu.memory_space<vmem>> -> memref<128x128xf32, #tpu.memory_space<vmem>>
    %dma_wait3A_209 = arith.constant 384 : i32
    %dma_wait3A_210 = tpu.memref_slice %arg6[%dma_wait3A_209] : memref<1024xi32, #tpu.memory_space<vmem>> -> memref<128xi32, #tpu.memory_space<vmem>>
    %dma_wait3A_211 = arith.constant 0 : i32
    %dma_wait3A_212 = tpu.memref_slice %arg5[%mul3A_37, %dma_wait3A_211] : memref<96x128xf32, #tpu.memory_space<vmem_shared>> -> memref<6x128xf32, #tpu.memory_space<vmem_shared>>
    %dma_wait3A_213 = arith.constant 0 : i32
    %dma_wait3A_214 = arith.constant 0 : i32
    %dma_wait3A_215 = tpu.memref_slice %dma_wait3A_212[%dma_wait3A_213, %dma_wait3A_214] : memref<6x128xf32, #tpu.memory_space<vmem_shared>> -> memref<6x128xf32, #tpu.memory_space<vmem_shared>>
    tpu.wait_indirect_dma semaphore(%arg13 : memref<!tpu.dma_semaphore, #tpu.memory_space<semaphore_mem>>) src(%dma_wait3A_215 : memref<6x128xf32, #tpu.memory_space<vmem_shared>>) dst(%dma_wait3A_208 : memref<128x128xf32, #tpu.memory_space<vmem>>)
    %add3A_216 = arith.constant 384 : i32
    %add3A_217 = arith.addi %mul3A_32, %add3A_216 : i32
    %dma_start3A_218 = arith.constant 3 : i32
    %dma_start3A_219 = arith.constant 0 : i32
    %dma_start3A_220 = arith.constant 0 : i32
    %dma_start3A_221 = tpu.memref_slice %arg7[%dma_start3A_218, %dma_start3A_219, %dma_start3A_220] : memref<6x128x128xf32, #tpu.memory_space<vmem>> -> memref<1x128x128xf32, #tpu.memory_space<vmem>>
    %dma_start3A_222 = tpu.memref_squeeze %dma_start3A_221 : memref<1x128x128xf32, #tpu.memory_space<vmem>> -> memref<128x128xf32, #tpu.memory_space<vmem>>
    %dma_start3A_223 = arith.constant 0 : i32
    %dma_start3A_224 = tpu.memref_slice %arg4[%select_n3A, %add3A_217, %dma_start3A_223] : memref<4x8192x128xf32, #tpu.memory_space<hbm>> -> memref<1x128x128xf32, #tpu.memory_space<hbm>>
    %dma_start3A_225 = tpu.memref_squeeze %dma_start3A_224 : memref<1x128x128xf32, #tpu.memory_space<hbm>> -> memref<128x128xf32, #tpu.memory_space<hbm>>
    %dma_start3A_226 = arith.constant 0 : i32
    %dma_start3A_227 = tpu.memref_slice %arg4[%select_n3A, %add3A_217, %dma_start3A_226] : memref<4x8192x128xf32, #tpu.memory_space<hbm>> -> memref<1x128x128xf32, #tpu.memory_space<hbm>>
    %dma_start3A_228 = tpu.memref_squeeze %dma_start3A_227 : memref<1x128x128xf32, #tpu.memory_space<hbm>> -> memref<128x128xf32, #tpu.memory_space<hbm>>
    %dma_start3A_229 = arith.constant 0 : i32
    %dma_start3A_230 = arith.constant 0 : i32
    %dma_start3A_231 = tpu.memref_slice %arg7[%dma_start3A_218, %dma_start3A_229, %dma_start3A_230] : memref<6x128x128xf32, #tpu.memory_space<vmem>> -> memref<1x128x128xf32, #tpu.memory_space<vmem>>
    %dma_start3A_232 = tpu.memref_squeeze %dma_start3A_231 : memref<1x128x128xf32, #tpu.memory_space<vmem>> -> memref<128x128xf32, #tpu.memory_space<vmem>>
    tpu.enqueue_dma source(%dma_start3A_232 : memref<128x128xf32, #tpu.memory_space<vmem>>) target(%dma_start3A_228 : memref<128x128xf32, #tpu.memory_space<hbm>>) target_semaphore(%arg19 : memref<!tpu.dma_semaphore, #tpu.memory_space<semaphore_mem>>)
    %dma_wait3A_233 = arith.constant 4 : i32
    %dma_wait3A_234 = arith.constant 0 : i32
    %dma_wait3A_235 = arith.constant 0 : i32
    %dma_wait3A_236 = tpu.memref_slice %arg7[%dma_wait3A_233, %dma_wait3A_234, %dma_wait3A_235] : memref<6x128x128xf32, #tpu.memory_space<vmem>> -> memref<1x128x128xf32, #tpu.memory_space<vmem>>
    %dma_wait3A_237 = tpu.memref_squeeze %dma_wait3A_236 : memref<1x128x128xf32, #tpu.memory_space<vmem>> -> memref<128x128xf32, #tpu.memory_space<vmem>>
    %dma_wait3A_238 = arith.constant 512 : i32
    %dma_wait3A_239 = tpu.memref_slice %arg6[%dma_wait3A_238] : memref<1024xi32, #tpu.memory_space<vmem>> -> memref<128xi32, #tpu.memory_space<vmem>>
    %dma_wait3A_240 = arith.constant 0 : i32
    %dma_wait3A_241 = tpu.memref_slice %arg5[%mul3A_37, %dma_wait3A_240] : memref<96x128xf32, #tpu.memory_space<vmem_shared>> -> memref<6x128xf32, #tpu.memory_space<vmem_shared>>
    %dma_wait3A_242 = arith.constant 0 : i32
    %dma_wait3A_243 = arith.constant 0 : i32
    %dma_wait3A_244 = tpu.memref_slice %dma_wait3A_241[%dma_wait3A_242, %dma_wait3A_243] : memref<6x128xf32, #tpu.memory_space<vmem_shared>> -> memref<6x128xf32, #tpu.memory_space<vmem_shared>>
    tpu.wait_indirect_dma semaphore(%arg14 : memref<!tpu.dma_semaphore, #tpu.memory_space<semaphore_mem>>) src(%dma_wait3A_244 : memref<6x128xf32, #tpu.memory_space<vmem_shared>>) dst(%dma_wait3A_237 : memref<128x128xf32, #tpu.memory_space<vmem>>)
    %add3A_245 = arith.constant 512 : i32
    %add3A_246 = arith.addi %mul3A_32, %add3A_245 : i32
    %dma_start3A_247 = arith.constant 4 : i32
    %dma_start3A_248 = arith.constant 0 : i32
    %dma_start3A_249 = arith.constant 0 : i32
    %dma_start3A_250 = tpu.memref_slice %arg7[%dma_start3A_247, %dma_start3A_248, %dma_start3A_249] : memref<6x128x128xf32, #tpu.memory_space<vmem>> -> memref<1x128x128xf32, #tpu.memory_space<vmem>>
    %dma_start3A_251 = tpu.memref_squeeze %dma_start3A_250 : memref<1x128x128xf32, #tpu.memory_space<vmem>> -> memref<128x128xf32, #tpu.memory_space<vmem>>
    %dma_start3A_252 = arith.constant 0 : i32
    %dma_start3A_253 = tpu.memref_slice %arg4[%select_n3A, %add3A_246, %dma_start3A_252] : memref<4x8192x128xf32, #tpu.memory_space<hbm>> -> memref<1x128x128xf32, #tpu.memory_space<hbm>>
    %dma_start3A_254 = tpu.memref_squeeze %dma_start3A_253 : memref<1x128x128xf32, #tpu.memory_space<hbm>> -> memref<128x128xf32, #tpu.memory_space<hbm>>
    %dma_start3A_255 = arith.constant 0 : i32
    %dma_start3A_256 = tpu.memref_slice %arg4[%select_n3A, %add3A_246, %dma_start3A_255] : memref<4x8192x128xf32, #tpu.memory_space<hbm>> -> memref<1x128x128xf32, #tpu.memory_space<hbm>>
    %dma_start3A_257 = tpu.memref_squeeze %dma_start3A_256 : memref<1x128x128xf32, #tpu.memory_space<hbm>> -> memref<128x128xf32, #tpu.memory_space<hbm>>
    %dma_start3A_258 = arith.constant 0 : i32
    %dma_start3A_259 = arith.constant 0 : i32
    %dma_start3A_260 = tpu.memref_slice %arg7[%dma_start3A_247, %dma_start3A_258, %dma_start3A_259] : memref<6x128x128xf32, #tpu.memory_space<vmem>> -> memref<1x128x128xf32, #tpu.memory_space<vmem>>
    %dma_start3A_261 = tpu.memref_squeeze %dma_start3A_260 : memref<1x128x128xf32, #tpu.memory_space<vmem>> -> memref<128x128xf32, #tpu.memory_space<vmem>>
    tpu.enqueue_dma source(%dma_start3A_261 : memref<128x128xf32, #tpu.memory_space<vmem>>) target(%dma_start3A_257 : memref<128x128xf32, #tpu.memory_space<hbm>>) target_semaphore(%arg20 : memref<!tpu.dma_semaphore, #tpu.memory_space<semaphore_mem>>)
    %dma_wait3A_262 = arith.constant 5 : i32
    %dma_wait3A_263 = arith.constant 0 : i32
    %dma_wait3A_264 = arith.constant 0 : i32
    %dma_wait3A_265 = tpu.memref_slice %arg7[%dma_wait3A_262, %dma_wait3A_263, %dma_wait3A_264] : memref<6x128x128xf32, #tpu.memory_space<vmem>> -> memref<1x128x128xf32, #tpu.memory_space<vmem>>
    %dma_wait3A_266 = tpu.memref_squeeze %dma_wait3A_265 : memref<1x128x128xf32, #tpu.memory_space<vmem>> -> memref<128x128xf32, #tpu.memory_space<vmem>>
    %dma_wait3A_267 = arith.constant 640 : i32
    %dma_wait3A_268 = tpu.memref_slice %arg6[%dma_wait3A_267] : memref<1024xi32, #tpu.memory_space<vmem>> -> memref<128xi32, #tpu.memory_space<vmem>>
    %dma_wait3A_269 = arith.constant 0 : i32
    %dma_wait3A_270 = tpu.memref_slice %arg5[%mul3A_37, %dma_wait3A_269] : memref<96x128xf32, #tpu.memory_space<vmem_shared>> -> memref<6x128xf32, #tpu.memory_space<vmem_shared>>
    %dma_wait3A_271 = arith.constant 0 : i32
    %dma_wait3A_272 = arith.constant 0 : i32
    %dma_wait3A_273 = tpu.memref_slice %dma_wait3A_270[%dma_wait3A_271, %dma_wait3A_272] : memref<6x128xf32, #tpu.memory_space<vmem_shared>> -> memref<6x128xf32, #tpu.memory_space<vmem_shared>>
    tpu.wait_indirect_dma semaphore(%arg15 : memref<!tpu.dma_semaphore, #tpu.memory_space<semaphore_mem>>) src(%dma_wait3A_273 : memref<6x128xf32, #tpu.memory_space<vmem_shared>>) dst(%dma_wait3A_266 : memref<128x128xf32, #tpu.memory_space<vmem>>)
    %add3A_274 = arith.constant 640 : i32
    %add3A_275 = arith.addi %mul3A_32, %add3A_274 : i32
    %dma_start3A_276 = arith.constant 5 : i32
    %dma_start3A_277 = arith.constant 0 : i32
    %dma_start3A_278 = arith.constant 0 : i32
    %dma_start3A_279 = tpu.memref_slice %arg7[%dma_start3A_276, %dma_start3A_277, %dma_start3A_278] : memref<6x128x128xf32, #tpu.memory_space<vmem>> -> memref<1x128x128xf32, #tpu.memory_space<vmem>>
    %dma_start3A_280 = tpu.memref_squeeze %dma_start3A_279 : memref<1x128x128xf32, #tpu.memory_space<vmem>> -> memref<128x128xf32, #tpu.memory_space<vmem>>
    %dma_start3A_281 = arith.constant 0 : i32
    %dma_start3A_282 = tpu.memref_slice %arg4[%select_n3A, %add3A_275, %dma_start3A_281] : memref<4x8192x128xf32, #tpu.memory_space<hbm>> -> memref<1x128x128xf32, #tpu.memory_space<hbm>>
    %dma_start3A_283 = tpu.memref_squeeze %dma_start3A_282 : memref<1x128x128xf32, #tpu.memory_space<hbm>> -> memref<128x128xf32, #tpu.memory_space<hbm>>
    %dma_start3A_284 = arith.constant 0 : i32
    %dma_start3A_285 = tpu.memref_slice %arg4[%select_n3A, %add3A_275, %dma_start3A_284] : memref<4x8192x128xf32, #tpu.memory_space<hbm>> -> memref<1x128x128xf32, #tpu.memory_space<hbm>>
    %dma_start3A_286 = tpu.memref_squeeze %dma_start3A_285 : memref<1x128x128xf32, #tpu.memory_space<hbm>> -> memref<128x128xf32, #tpu.memory_space<hbm>>
    %dma_start3A_287 = arith.constant 0 : i32
    %dma_start3A_288 = arith.constant 0 : i32
    %dma_start3A_289 = tpu.memref_slice %arg7[%dma_start3A_276, %dma_start3A_287, %dma_start3A_288] : memref<6x128x128xf32, #tpu.memory_space<vmem>> -> memref<1x128x128xf32, #tpu.memory_space<vmem>>
    %dma_start3A_290 = tpu.memref_squeeze %dma_start3A_289 : memref<1x128x128xf32, #tpu.memory_space<vmem>> -> memref<128x128xf32, #tpu.memory_space<vmem>>
    tpu.enqueue_dma source(%dma_start3A_290 : memref<128x128xf32, #tpu.memory_space<vmem>>) target(%dma_start3A_286 : memref<128x128xf32, #tpu.memory_space<hbm>>) target_semaphore(%arg21 : memref<!tpu.dma_semaphore, #tpu.memory_space<semaphore_mem>>)
    %dma_wait3A_291 = arith.constant 0 : i32
    %dma_wait3A_292 = arith.constant 0 : i32
    %dma_wait3A_293 = arith.constant 0 : i32
    %dma_wait3A_294 = tpu.memref_slice %arg7[%dma_wait3A_291, %dma_wait3A_292, %dma_wait3A_293] : memref<6x128x128xf32, #tpu.memory_space<vmem>> -> memref<1x128x128xf32, #tpu.memory_space<vmem>>
    %dma_wait3A_295 = tpu.memref_squeeze %dma_wait3A_294 : memref<1x128x128xf32, #tpu.memory_space<vmem>> -> memref<128x128xf32, #tpu.memory_space<vmem>>
    %dma_wait3A_296 = arith.constant 0 : i32
    %dma_wait3A_297 = tpu.memref_slice %arg4[%select_n3A, %add3A_130, %dma_wait3A_296] : memref<4x8192x128xf32, #tpu.memory_space<hbm>> -> memref<1x128x128xf32, #tpu.memory_space<hbm>>
    %dma_wait3A_298 = tpu.memref_squeeze %dma_wait3A_297 : memref<1x128x128xf32, #tpu.memory_space<hbm>> -> memref<128x128xf32, #tpu.memory_space<hbm>>
    %dma_wait3A_299 = arith.constant 0 : i32
    %dma_wait3A_300 = tpu.memref_slice %arg4[%select_n3A, %add3A_130, %dma_wait3A_299] : memref<4x8192x128xf32, #tpu.memory_space<hbm>> -> memref<1x128x128xf32, #tpu.memory_space<hbm>>
    %dma_wait3A_301 = tpu.memref_squeeze %dma_wait3A_300 : memref<1x128x128xf32, #tpu.memory_space<hbm>> -> memref<128x128xf32, #tpu.memory_space<hbm>>
    %dma_wait3A_302 = arith.constant 0 : i32
    %dma_wait3A_303 = arith.constant 0 : i32
    %dma_wait3A_304 = tpu.memref_slice %arg7[%dma_wait3A_291, %dma_wait3A_302, %dma_wait3A_303] : memref<6x128x128xf32, #tpu.memory_space<vmem>> -> memref<1x128x128xf32, #tpu.memory_space<vmem>>
    %dma_wait3A_305 = tpu.memref_squeeze %dma_wait3A_304 : memref<1x128x128xf32, #tpu.memory_space<vmem>> -> memref<128x128xf32, #tpu.memory_space<vmem>>
    tpu.wait_dma2 semaphore(%arg16 : memref<!tpu.dma_semaphore, #tpu.memory_space<semaphore_mem>>) src(%dma_wait3A_305 : memref<128x128xf32, #tpu.memory_space<vmem>>) dst(%dma_wait3A_301 : memref<128x128xf32, #tpu.memory_space<hbm>>)
    %dma_start3A_306 = arith.constant 0 : i32
    %dma_start3A_307 = arith.constant 0 : i32
    %dma_start3A_308 = arith.constant 0 : i32
    %dma_start3A_309 = tpu.memref_slice %arg7[%dma_start3A_306, %dma_start3A_307, %dma_start3A_308] : memref<6x128x128xf32, #tpu.memory_space<vmem>> -> memref<1x128x128xf32, #tpu.memory_space<vmem>>
    %dma_start3A_310 = tpu.memref_squeeze %dma_start3A_309 : memref<1x128x128xf32, #tpu.memory_space<vmem>> -> memref<128x128xf32, #tpu.memory_space<vmem>>
    %dma_start3A_311 = arith.constant 768 : i32
    %dma_start3A_312 = tpu.memref_slice %arg6[%dma_start3A_311] : memref<1024xi32, #tpu.memory_space<vmem>> -> memref<128xi32, #tpu.memory_space<vmem>>
    %dma_start3A_313 = arith.constant 0 : i32
    %dma_start3A_314 = tpu.memref_slice %arg5[%mul3A_37, %dma_start3A_313] : memref<96x128xf32, #tpu.memory_space<vmem_shared>> -> memref<6x128xf32, #tpu.memory_space<vmem_shared>>
    %dma_start3A_315 = arith.constant 0 : i32
    %dma_start3A_316 = arith.constant 0 : i32
    %dma_start3A_317 = tpu.memref_slice %dma_start3A_314[%dma_start3A_315, %dma_start3A_316] : memref<6x128xf32, #tpu.memory_space<vmem_shared>> -> memref<6x128xf32, #tpu.memory_space<vmem_shared>>
    tpu.enqueue_indirect_dma source(%dma_start3A_317 : memref<6x128xf32, #tpu.memory_space<vmem_shared>>) target(%dma_start3A_310 : memref<128x128xf32, #tpu.memory_space<vmem>>) offsets(%dma_start3A_312 : memref<128xi32, #tpu.memory_space<vmem>>) semaphore(%arg10 : memref<!tpu.dma_semaphore, #tpu.memory_space<semaphore_mem>>)
    %dma_wait3A_318 = arith.constant 0 : i32
    %dma_wait3A_319 = arith.constant 0 : i32
    %dma_wait3A_320 = arith.constant 0 : i32
    %dma_wait3A_321 = tpu.memref_slice %arg7[%dma_wait3A_318, %dma_wait3A_319, %dma_wait3A_320] : memref<6x128x128xf32, #tpu.memory_space<vmem>> -> memref<1x128x128xf32, #tpu.memory_space<vmem>>
    %dma_wait3A_322 = tpu.memref_squeeze %dma_wait3A_321 : memref<1x128x128xf32, #tpu.memory_space<vmem>> -> memref<128x128xf32, #tpu.memory_space<vmem>>
    %dma_wait3A_323 = arith.constant 768 : i32
    %dma_wait3A_324 = tpu.memref_slice %arg6[%dma_wait3A_323] : memref<1024xi32, #tpu.memory_space<vmem>> -> memref<128xi32, #tpu.memory_space<vmem>>
    %dma_wait3A_325 = arith.constant 0 : i32
    %dma_wait3A_326 = tpu.memref_slice %arg5[%mul3A_37, %dma_wait3A_325] : memref<96x128xf32, #tpu.memory_space<vmem_shared>> -> memref<6x128xf32, #tpu.memory_space<vmem_shared>>
    %dma_wait3A_327 = arith.constant 0 : i32
    %dma_wait3A_328 = arith.constant 0 : i32
    %dma_wait3A_329 = tpu.memref_slice %dma_wait3A_326[%dma_wait3A_327, %dma_wait3A_328] : memref<6x128xf32, #tpu.memory_space<vmem_shared>> -> memref<6x128xf32, #tpu.memory_space<vmem_shared>>
    tpu.wait_indirect_dma semaphore(%arg10 : memref<!tpu.dma_semaphore, #tpu.memory_space<semaphore_mem>>) src(%dma_wait3A_329 : memref<6x128xf32, #tpu.memory_space<vmem_shared>>) dst(%dma_wait3A_322 : memref<128x128xf32, #tpu.memory_space<vmem>>)
    %add3A_330 = arith.constant 768 : i32
    %add3A_331 = arith.addi %mul3A_32, %add3A_330 : i32
    %dma_start3A_332 = arith.constant 0 : i32
    %dma_start3A_333 = arith.constant 0 : i32
    %dma_start3A_334 = arith.constant 0 : i32
    %dma_start3A_335 = tpu.memref_slice %arg7[%dma_start3A_332, %dma_start3A_333, %dma_start3A_334] : memref<6x128x128xf32, #tpu.memory_space<vmem>> -> memref<1x128x128xf32, #tpu.memory_space<vmem>>
    %dma_start3A_336 = tpu.memref_squeeze %dma_start3A_335 : memref<1x128x128xf32, #tpu.memory_space<vmem>> -> memref<128x128xf32, #tpu.memory_space<vmem>>
    %dma_start3A_337 = arith.constant 0 : i32
    %dma_start3A_338 = tpu.memref_slice %arg4[%select_n3A, %add3A_331, %dma_start3A_337] : memref<4x8192x128xf32, #tpu.memory_space<hbm>> -> memref<1x128x128xf32, #tpu.memory_space<hbm>>
    %dma_start3A_339 = tpu.memref_squeeze %dma_start3A_338 : memref<1x128x128xf32, #tpu.memory_space<hbm>> -> memref<128x128xf32, #tpu.memory_space<hbm>>
    %dma_start3A_340 = arith.constant 0 : i32
    %dma_start3A_341 = tpu.memref_slice %arg4[%select_n3A, %add3A_331, %dma_start3A_340] : memref<4x8192x128xf32, #tpu.memory_space<hbm>> -> memref<1x128x128xf32, #tpu.memory_space<hbm>>
    %dma_start3A_342 = tpu.memref_squeeze %dma_start3A_341 : memref<1x128x128xf32, #tpu.memory_space<hbm>> -> memref<128x128xf32, #tpu.memory_space<hbm>>
    %dma_start3A_343 = arith.constant 0 : i32
    %dma_start3A_344 = arith.constant 0 : i32
    %dma_start3A_345 = tpu.memref_slice %arg7[%dma_start3A_332, %dma_start3A_343, %dma_start3A_344] : memref<6x128x128xf32, #tpu.memory_space<vmem>> -> memref<1x128x128xf32, #tpu.memory_space<vmem>>
    %dma_start3A_346 = tpu.memref_squeeze %dma_start3A_345 : memref<1x128x128xf32, #tpu.memory_space<vmem>> -> memref<128x128xf32, #tpu.memory_space<vmem>>
    tpu.enqueue_dma source(%dma_start3A_346 : memref<128x128xf32, #tpu.memory_space<vmem>>) target(%dma_start3A_342 : memref<128x128xf32, #tpu.memory_space<hbm>>) target_semaphore(%arg16 : memref<!tpu.dma_semaphore, #tpu.memory_space<semaphore_mem>>)
    %dma_wait3A_347 = arith.constant 1 : i32
    %dma_wait3A_348 = arith.constant 0 : i32
    %dma_wait3A_349 = arith.constant 0 : i32
    %dma_wait3A_350 = tpu.memref_slice %arg7[%dma_wait3A_347, %dma_wait3A_348, %dma_wait3A_349] : memref<6x128x128xf32, #tpu.memory_space<vmem>> -> memref<1x128x128xf32, #tpu.memory_space<vmem>>
    %dma_wait3A_351 = tpu.memref_squeeze %dma_wait3A_350 : memref<1x128x128xf32, #tpu.memory_space<vmem>> -> memref<128x128xf32, #tpu.memory_space<vmem>>
    %dma_wait3A_352 = arith.constant 0 : i32
    %dma_wait3A_353 = tpu.memref_slice %arg4[%select_n3A, %add3A_159, %dma_wait3A_352] : memref<4x8192x128xf32, #tpu.memory_space<hbm>> -> memref<1x128x128xf32, #tpu.memory_space<hbm>>
    %dma_wait3A_354 = tpu.memref_squeeze %dma_wait3A_353 : memref<1x128x128xf32, #tpu.memory_space<hbm>> -> memref<128x128xf32, #tpu.memory_space<hbm>>
    %dma_wait3A_355 = arith.constant 0 : i32
    %dma_wait3A_356 = tpu.memref_slice %arg4[%select_n3A, %add3A_159, %dma_wait3A_355] : memref<4x8192x128xf32, #tpu.memory_space<hbm>> -> memref<1x128x128xf32, #tpu.memory_space<hbm>>
    %dma_wait3A_357 = tpu.memref_squeeze %dma_wait3A_356 : memref<1x128x128xf32, #tpu.memory_space<hbm>> -> memref<128x128xf32, #tpu.memory_space<hbm>>
    %dma_wait3A_358 = arith.constant 0 : i32
    %dma_wait3A_359 = arith.constant 0 : i32
    %dma_wait3A_360 = tpu.memref_slice %arg7[%dma_wait3A_347, %dma_wait3A_358, %dma_wait3A_359] : memref<6x128x128xf32, #tpu.memory_space<vmem>> -> memref<1x128x128xf32, #tpu.memory_space<vmem>>
    %dma_wait3A_361 = tpu.memref_squeeze %dma_wait3A_360 : memref<1x128x128xf32, #tpu.memory_space<vmem>> -> memref<128x128xf32, #tpu.memory_space<vmem>>
    tpu.wait_dma2 semaphore(%arg17 : memref<!tpu.dma_semaphore, #tpu.memory_space<semaphore_mem>>) src(%dma_wait3A_361 : memref<128x128xf32, #tpu.memory_space<vmem>>) dst(%dma_wait3A_357 : memref<128x128xf32, #tpu.memory_space<hbm>>)
    %dma_start3A_362 = arith.constant 1 : i32
    %dma_start3A_363 = arith.constant 0 : i32
    %dma_start3A_364 = arith.constant 0 : i32
    %dma_start3A_365 = tpu.memref_slice %arg7[%dma_start3A_362, %dma_start3A_363, %dma_start3A_364] : memref<6x128x128xf32, #tpu.memory_space<vmem>> -> memref<1x128x128xf32, #tpu.memory_space<vmem>>
    %dma_start3A_366 = tpu.memref_squeeze %dma_start3A_365 : memref<1x128x128xf32, #tpu.memory_space<vmem>> -> memref<128x128xf32, #tpu.memory_space<vmem>>
    %dma_start3A_367 = arith.constant 896 : i32
    %dma_start3A_368 = tpu.memref_slice %arg6[%dma_start3A_367] : memref<1024xi32, #tpu.memory_space<vmem>> -> memref<128xi32, #tpu.memory_space<vmem>>
    %dma_start3A_369 = arith.constant 0 : i32
    %dma_start3A_370 = tpu.memref_slice %arg5[%mul3A_37, %dma_start3A_369] : memref<96x128xf32, #tpu.memory_space<vmem_shared>> -> memref<6x128xf32, #tpu.memory_space<vmem_shared>>
    %dma_start3A_371 = arith.constant 0 : i32
    %dma_start3A_372 = arith.constant 0 : i32
    %dma_start3A_373 = tpu.memref_slice %dma_start3A_370[%dma_start3A_371, %dma_start3A_372] : memref<6x128xf32, #tpu.memory_space<vmem_shared>> -> memref<6x128xf32, #tpu.memory_space<vmem_shared>>
    tpu.enqueue_indirect_dma source(%dma_start3A_373 : memref<6x128xf32, #tpu.memory_space<vmem_shared>>) target(%dma_start3A_366 : memref<128x128xf32, #tpu.memory_space<vmem>>) offsets(%dma_start3A_368 : memref<128xi32, #tpu.memory_space<vmem>>) semaphore(%arg11 : memref<!tpu.dma_semaphore, #tpu.memory_space<semaphore_mem>>)
    %dma_wait3A_374 = arith.constant 1 : i32
    %dma_wait3A_375 = arith.constant 0 : i32
    %dma_wait3A_376 = arith.constant 0 : i32
    %dma_wait3A_377 = tpu.memref_slice %arg7[%dma_wait3A_374, %dma_wait3A_375, %dma_wait3A_376] : memref<6x128x128xf32, #tpu.memory_space<vmem>> -> memref<1x128x128xf32, #tpu.memory_space<vmem>>
    %dma_wait3A_378 = tpu.memref_squeeze %dma_wait3A_377 : memref<1x128x128xf32, #tpu.memory_space<vmem>> -> memref<128x128xf32, #tpu.memory_space<vmem>>
    %dma_wait3A_379 = arith.constant 896 : i32
    %dma_wait3A_380 = tpu.memref_slice %arg6[%dma_wait3A_379] : memref<1024xi32, #tpu.memory_space<vmem>> -> memref<128xi32, #tpu.memory_space<vmem>>
    %dma_wait3A_381 = arith.constant 0 : i32
    %dma_wait3A_382 = tpu.memref_slice %arg5[%mul3A_37, %dma_wait3A_381] : memref<96x128xf32, #tpu.memory_space<vmem_shared>> -> memref<6x128xf32, #tpu.memory_space<vmem_shared>>
    %dma_wait3A_383 = arith.constant 0 : i32
    %dma_wait3A_384 = arith.constant 0 : i32
    %dma_wait3A_385 = tpu.memref_slice %dma_wait3A_382[%dma_wait3A_383, %dma_wait3A_384] : memref<6x128xf32, #tpu.memory_space<vmem_shared>> -> memref<6x128xf32, #tpu.memory_space<vmem_shared>>
    tpu.wait_indirect_dma semaphore(%arg11 : memref<!tpu.dma_semaphore, #tpu.memory_space<semaphore_mem>>) src(%dma_wait3A_385 : memref<6x128xf32, #tpu.memory_space<vmem_shared>>) dst(%dma_wait3A_378 : memref<128x128xf32, #tpu.memory_space<vmem>>)
    %add3A_386 = arith.constant 896 : i32
    %add3A_387 = arith.addi %mul3A_32, %add3A_386 : i32
    %dma_start3A_388 = arith.constant 1 : i32
    %dma_start3A_389 = arith.constant 0 : i32
    %dma_start3A_390 = arith.constant 0 : i32
    %dma_start3A_391 = tpu.memref_slice %arg7[%dma_start3A_388, %dma_start3A_389, %dma_start3A_390] : memref<6x128x128xf32, #tpu.memory_space<vmem>> -> memref<1x128x128xf32, #tpu.memory_space<vmem>>
    %dma_start3A_392 = tpu.memref_squeeze %dma_start3A_391 : memref<1x128x128xf32, #tpu.memory_space<vmem>> -> memref<128x128xf32, #tpu.memory_space<vmem>>
    %dma_start3A_393 = arith.constant 0 : i32
    %dma_start3A_394 = tpu.memref_slice %arg4[%select_n3A, %add3A_387, %dma_start3A_393] : memref<4x8192x128xf32, #tpu.memory_space<hbm>> -> memref<1x128x128xf32, #tpu.memory_space<hbm>>
    %dma_start3A_395 = tpu.memref_squeeze %dma_start3A_394 : memref<1x128x128xf32, #tpu.memory_space<hbm>> -> memref<128x128xf32, #tpu.memory_space<hbm>>
    %dma_start3A_396 = arith.constant 0 : i32
    %dma_start3A_397 = tpu.memref_slice %arg4[%select_n3A, %add3A_387, %dma_start3A_396] : memref<4x8192x128xf32, #tpu.memory_space<hbm>> -> memref<1x128x128xf32, #tpu.memory_space<hbm>>
    %dma_start3A_398 = tpu.memref_squeeze %dma_start3A_397 : memref<1x128x128xf32, #tpu.memory_space<hbm>> -> memref<128x128xf32, #tpu.memory_space<hbm>>
    %dma_start3A_399 = arith.constant 0 : i32
    %dma_start3A_400 = arith.constant 0 : i32
    %dma_start3A_401 = tpu.memref_slice %arg7[%dma_start3A_388, %dma_start3A_399, %dma_start3A_400] : memref<6x128x128xf32, #tpu.memory_space<vmem>> -> memref<1x128x128xf32, #tpu.memory_space<vmem>>
    %dma_start3A_402 = tpu.memref_squeeze %dma_start3A_401 : memref<1x128x128xf32, #tpu.memory_space<vmem>> -> memref<128x128xf32, #tpu.memory_space<vmem>>
    tpu.enqueue_dma source(%dma_start3A_402 : memref<128x128xf32, #tpu.memory_space<vmem>>) target(%dma_start3A_398 : memref<128x128xf32, #tpu.memory_space<hbm>>) target_semaphore(%arg17 : memref<!tpu.dma_semaphore, #tpu.memory_space<semaphore_mem>>)
    %dma_wait3A_403 = arith.constant 2 : i32
    %dma_wait3A_404 = arith.constant 0 : i32
    %dma_wait3A_405 = arith.constant 0 : i32
    %dma_wait3A_406 = tpu.memref_slice %arg7[%dma_wait3A_403, %dma_wait3A_404, %dma_wait3A_405] : memref<6x128x128xf32, #tpu.memory_space<vmem>> -> memref<1x128x128xf32, #tpu.memory_space<vmem>>
    %dma_wait3A_407 = tpu.memref_squeeze %dma_wait3A_406 : memref<1x128x128xf32, #tpu.memory_space<vmem>> -> memref<128x128xf32, #tpu.memory_space<vmem>>
    %dma_wait3A_408 = arith.constant 0 : i32
    %dma_wait3A_409 = tpu.memref_slice %arg4[%select_n3A, %add3A_188, %dma_wait3A_408] : memref<4x8192x128xf32, #tpu.memory_space<hbm>> -> memref<1x128x128xf32, #tpu.memory_space<hbm>>
    %dma_wait3A_410 = tpu.memref_squeeze %dma_wait3A_409 : memref<1x128x128xf32, #tpu.memory_space<hbm>> -> memref<128x128xf32, #tpu.memory_space<hbm>>
    %dma_wait3A_411 = arith.constant 0 : i32
    %dma_wait3A_412 = tpu.memref_slice %arg4[%select_n3A, %add3A_188, %dma_wait3A_411] : memref<4x8192x128xf32, #tpu.memory_space<hbm>> -> memref<1x128x128xf32, #tpu.memory_space<hbm>>
    %dma_wait3A_413 = tpu.memref_squeeze %dma_wait3A_412 : memref<1x128x128xf32, #tpu.memory_space<hbm>> -> memref<128x128xf32, #tpu.memory_space<hbm>>
    %dma_wait3A_414 = arith.constant 0 : i32
    %dma_wait3A_415 = arith.constant 0 : i32
    %dma_wait3A_416 = tpu.memref_slice %arg7[%dma_wait3A_403, %dma_wait3A_414, %dma_wait3A_415] : memref<6x128x128xf32, #tpu.memory_space<vmem>> -> memref<1x128x128xf32, #tpu.memory_space<vmem>>
    %dma_wait3A_417 = tpu.memref_squeeze %dma_wait3A_416 : memref<1x128x128xf32, #tpu.memory_space<vmem>> -> memref<128x128xf32, #tpu.memory_space<vmem>>
    tpu.wait_dma2 semaphore(%arg18 : memref<!tpu.dma_semaphore, #tpu.memory_space<semaphore_mem>>) src(%dma_wait3A_417 : memref<128x128xf32, #tpu.memory_space<vmem>>) dst(%dma_wait3A_413 : memref<128x128xf32, #tpu.memory_space<hbm>>)
    %dma_wait3A_418 = arith.constant 3 : i32
    %dma_wait3A_419 = arith.constant 0 : i32
    %dma_wait3A_420 = arith.constant 0 : i32
    %dma_wait3A_421 = tpu.memref_slice %arg7[%dma_wait3A_418, %dma_wait3A_419, %dma_wait3A_420] : memref<6x128x128xf32, #tpu.memory_space<vmem>> -> memref<1x128x128xf32, #tpu.memory_space<vmem>>
    %dma_wait3A_422 = tpu.memref_squeeze %dma_wait3A_421 : memref<1x128x128xf32, #tpu.memory_space<vmem>> -> memref<128x128xf32, #tpu.memory_space<vmem>>
    %dma_wait3A_423 = arith.constant 0 : i32
    %dma_wait3A_424 = tpu.memref_slice %arg4[%select_n3A, %add3A_217, %dma_wait3A_423] : memref<4x8192x128xf32, #tpu.memory_space<hbm>> -> memref<1x128x128xf32, #tpu.memory_space<hbm>>
    %dma_wait3A_425 = tpu.memref_squeeze %dma_wait3A_424 : memref<1x128x128xf32, #tpu.memory_space<hbm>> -> memref<128x128xf32, #tpu.memory_space<hbm>>
    %dma_wait3A_426 = arith.constant 0 : i32
    %dma_wait3A_427 = tpu.memref_slice %arg4[%select_n3A, %add3A_217, %dma_wait3A_426] : memref<4x8192x128xf32, #tpu.memory_space<hbm>> -> memref<1x128x128xf32, #tpu.memory_space<hbm>>
    %dma_wait3A_428 = tpu.memref_squeeze %dma_wait3A_427 : memref<1x128x128xf32, #tpu.memory_space<hbm>> -> memref<128x128xf32, #tpu.memory_space<hbm>>
    %dma_wait3A_429 = arith.constant 0 : i32
    %dma_wait3A_430 = arith.constant 0 : i32
    %dma_wait3A_431 = tpu.memref_slice %arg7[%dma_wait3A_418, %dma_wait3A_429, %dma_wait3A_430] : memref<6x128x128xf32, #tpu.memory_space<vmem>> -> memref<1x128x128xf32, #tpu.memory_space<vmem>>
    %dma_wait3A_432 = tpu.memref_squeeze %dma_wait3A_431 : memref<1x128x128xf32, #tpu.memory_space<vmem>> -> memref<128x128xf32, #tpu.memory_space<vmem>>
    tpu.wait_dma2 semaphore(%arg19 : memref<!tpu.dma_semaphore, #tpu.memory_space<semaphore_mem>>) src(%dma_wait3A_432 : memref<128x128xf32, #tpu.memory_space<vmem>>) dst(%dma_wait3A_428 : memref<128x128xf32, #tpu.memory_space<hbm>>)
    %dma_wait3A_433 = arith.constant 4 : i32
    %dma_wait3A_434 = arith.constant 0 : i32
    %dma_wait3A_435 = arith.constant 0 : i32
    %dma_wait3A_436 = tpu.memref_slice %arg7[%dma_wait3A_433, %dma_wait3A_434, %dma_wait3A_435] : memref<6x128x128xf32, #tpu.memory_space<vmem>> -> memref<1x128x128xf32, #tpu.memory_space<vmem>>
    %dma_wait3A_437 = tpu.memref_squeeze %dma_wait3A_436 : memref<1x128x128xf32, #tpu.memory_space<vmem>> -> memref<128x128xf32, #tpu.memory_space<vmem>>
    %dma_wait3A_438 = arith.constant 0 : i32
    %dma_wait3A_439 = tpu.memref_slice %arg4[%select_n3A, %add3A_246, %dma_wait3A_438] : memref<4x8192x128xf32, #tpu.memory_space<hbm>> -> memref<1x128x128xf32, #tpu.memory_space<hbm>>
    %dma_wait3A_440 = tpu.memref_squeeze %dma_wait3A_439 : memref<1x128x128xf32, #tpu.memory_space<hbm>> -> memref<128x128xf32, #tpu.memory_space<hbm>>
    %dma_wait3A_441 = arith.constant 0 : i32
    %dma_wait3A_442 = tpu.memref_slice %arg4[%select_n3A, %add3A_246, %dma_wait3A_441] : memref<4x8192x128xf32, #tpu.memory_space<hbm>> -> memref<1x128x128xf32, #tpu.memory_space<hbm>>
    %dma_wait3A_443 = tpu.memref_squeeze %dma_wait3A_442 : memref<1x128x128xf32, #tpu.memory_space<hbm>> -> memref<128x128xf32, #tpu.memory_space<hbm>>
    %dma_wait3A_444 = arith.constant 0 : i32
    %dma_wait3A_445 = arith.constant 0 : i32
    %dma_wait3A_446 = tpu.memref_slice %arg7[%dma_wait3A_433, %dma_wait3A_444, %dma_wait3A_445] : memref<6x128x128xf32, #tpu.memory_space<vmem>> -> memref<1x128x128xf32, #tpu.memory_space<vmem>>
    %dma_wait3A_447 = tpu.memref_squeeze %dma_wait3A_446 : memref<1x128x128xf32, #tpu.memory_space<vmem>> -> memref<128x128xf32, #tpu.memory_space<vmem>>
    tpu.wait_dma2 semaphore(%arg20 : memref<!tpu.dma_semaphore, #tpu.memory_space<semaphore_mem>>) src(%dma_wait3A_447 : memref<128x128xf32, #tpu.memory_space<vmem>>) dst(%dma_wait3A_443 : memref<128x128xf32, #tpu.memory_space<hbm>>)
    %dma_wait3A_448 = arith.constant 5 : i32
    %dma_wait3A_449 = arith.constant 0 : i32
    %dma_wait3A_450 = arith.constant 0 : i32
    %dma_wait3A_451 = tpu.memref_slice %arg7[%dma_wait3A_448, %dma_wait3A_449, %dma_wait3A_450] : memref<6x128x128xf32, #tpu.memory_space<vmem>> -> memref<1x128x128xf32, #tpu.memory_space<vmem>>
    %dma_wait3A_452 = tpu.memref_squeeze %dma_wait3A_451 : memref<1x128x128xf32, #tpu.memory_space<vmem>> -> memref<128x128xf32, #tpu.memory_space<vmem>>
    %dma_wait3A_453 = arith.constant 0 : i32
    %dma_wait3A_454 = tpu.memref_slice %arg4[%select_n3A, %add3A_275, %dma_wait3A_453] : memref<4x8192x128xf32, #tpu.memory_space<hbm>> -> memref<1x128x128xf32, #tpu.memory_space<hbm>>
    %dma_wait3A_455 = tpu.memref_squeeze %dma_wait3A_454 : memref<1x128x128xf32, #tpu.memory_space<hbm>> -> memref<128x128xf32, #tpu.memory_space<hbm>>
    %dma_wait3A_456 = arith.constant 0 : i32
    %dma_wait3A_457 = tpu.memref_slice %arg4[%select_n3A, %add3A_275, %dma_wait3A_456] : memref<4x8192x128xf32, #tpu.memory_space<hbm>> -> memref<1x128x128xf32, #tpu.memory_space<hbm>>
    %dma_wait3A_458 = tpu.memref_squeeze %dma_wait3A_457 : memref<1x128x128xf32, #tpu.memory_space<hbm>> -> memref<128x128xf32, #tpu.memory_space<hbm>>
    %dma_wait3A_459 = arith.constant 0 : i32
    %dma_wait3A_460 = arith.constant 0 : i32
    %dma_wait3A_461 = tpu.memref_slice %arg7[%dma_wait3A_448, %dma_wait3A_459, %dma_wait3A_460] : memref<6x128x128xf32, #tpu.memory_space<vmem>> -> memref<1x128x128xf32, #tpu.memory_space<vmem>>
    %dma_wait3A_462 = tpu.memref_squeeze %dma_wait3A_461 : memref<1x128x128xf32, #tpu.memory_space<vmem>> -> memref<128x128xf32, #tpu.memory_space<vmem>>
    tpu.wait_dma2 semaphore(%arg21 : memref<!tpu.dma_semaphore, #tpu.memory_space<semaphore_mem>>) src(%dma_wait3A_462 : memref<128x128xf32, #tpu.memory_space<vmem>>) dst(%dma_wait3A_458 : memref<128x128xf32, #tpu.memory_space<hbm>>)
    %dma_wait3A_463 = arith.constant 0 : i32
    %dma_wait3A_464 = arith.constant 0 : i32
    %dma_wait3A_465 = arith.constant 0 : i32
    %dma_wait3A_466 = tpu.memref_slice %arg7[%dma_wait3A_463, %dma_wait3A_464, %dma_wait3A_465] : memref<6x128x128xf32, #tpu.memory_space<vmem>> -> memref<1x128x128xf32, #tpu.memory_space<vmem>>
    %dma_wait3A_467 = tpu.memref_squeeze %dma_wait3A_466 : memref<1x128x128xf32, #tpu.memory_space<vmem>> -> memref<128x128xf32, #tpu.memory_space<vmem>>
    %dma_wait3A_468 = arith.constant 0 : i32
    %dma_wait3A_469 = tpu.memref_slice %arg4[%select_n3A, %add3A_331, %dma_wait3A_468] : memref<4x8192x128xf32, #tpu.memory_space<hbm>> -> memref<1x128x128xf32, #tpu.memory_space<hbm>>
    %dma_wait3A_470 = tpu.memref_squeeze %dma_wait3A_469 : memref<1x128x128xf32, #tpu.memory_space<hbm>> -> memref<128x128xf32, #tpu.memory_space<hbm>>
    %dma_wait3A_471 = arith.constant 0 : i32
    %dma_wait3A_472 = tpu.memref_slice %arg4[%select_n3A, %add3A_331, %dma_wait3A_471] : memref<4x8192x128xf32, #tpu.memory_space<hbm>> -> memref<1x128x128xf32, #tpu.memory_space<hbm>>
    %dma_wait3A_473 = tpu.memref_squeeze %dma_wait3A_472 : memref<1x128x128xf32, #tpu.memory_space<hbm>> -> memref<128x128xf32, #tpu.memory_space<hbm>>
    %dma_wait3A_474 = arith.constant 0 : i32
    %dma_wait3A_475 = arith.constant 0 : i32
    %dma_wait3A_476 = tpu.memref_slice %arg7[%dma_wait3A_463, %dma_wait3A_474, %dma_wait3A_475] : memref<6x128x128xf32, #tpu.memory_space<vmem>> -> memref<1x128x128xf32, #tpu.memory_space<vmem>>
    %dma_wait3A_477 = tpu.memref_squeeze %dma_wait3A_476 : memref<1x128x128xf32, #tpu.memory_space<vmem>> -> memref<128x128xf32, #tpu.memory_space<vmem>>
    tpu.wait_dma2 semaphore(%arg16 : memref<!tpu.dma_semaphore, #tpu.memory_space<semaphore_mem>>) src(%dma_wait3A_477 : memref<128x128xf32, #tpu.memory_space<vmem>>) dst(%dma_wait3A_473 : memref<128x128xf32, #tpu.memory_space<hbm>>)
    %dma_wait3A_478 = arith.constant 1 : i32
    %dma_wait3A_479 = arith.constant 0 : i32
    %dma_wait3A_480 = arith.constant 0 : i32
    %dma_wait3A_481 = tpu.memref_slice %arg7[%dma_wait3A_478, %dma_wait3A_479, %dma_wait3A_480] : memref<6x128x128xf32, #tpu.memory_space<vmem>> -> memref<1x128x128xf32, #tpu.memory_space<vmem>>
    %dma_wait3A_482 = tpu.memref_squeeze %dma_wait3A_481 : memref<1x128x128xf32, #tpu.memory_space<vmem>> -> memref<128x128xf32, #tpu.memory_space<vmem>>
    %dma_wait3A_483 = arith.constant 0 : i32
    %dma_wait3A_484 = tpu.memref_slice %arg4[%select_n3A, %add3A_387, %dma_wait3A_483] : memref<4x8192x128xf32, #tpu.memory_space<hbm>> -> memref<1x128x128xf32, #tpu.memory_space<hbm>>
    %dma_wait3A_485 = tpu.memref_squeeze %dma_wait3A_484 : memref<1x128x128xf32, #tpu.memory_space<hbm>> -> memref<128x128xf32, #tpu.memory_space<hbm>>
    %dma_wait3A_486 = arith.constant 0 : i32
    %dma_wait3A_487 = tpu.memref_slice %arg4[%select_n3A, %add3A_387, %dma_wait3A_486] : memref<4x8192x128xf32, #tpu.memory_space<hbm>> -> memref<1x128x128xf32, #tpu.memory_space<hbm>>
    %dma_wait3A_488 = tpu.memref_squeeze %dma_wait3A_487 : memref<1x128x128xf32, #tpu.memory_space<hbm>> -> memref<128x128xf32, #tpu.memory_space<hbm>>
    %dma_wait3A_489 = arith.constant 0 : i32
    %dma_wait3A_490 = arith.constant 0 : i32
    %dma_wait3A_491 = tpu.memref_slice %arg7[%dma_wait3A_478, %dma_wait3A_489, %dma_wait3A_490] : memref<6x128x128xf32, #tpu.memory_space<vmem>> -> memref<1x128x128xf32, #tpu.memory_space<vmem>>
    %dma_wait3A_492 = tpu.memref_squeeze %dma_wait3A_491 : memref<1x128x128xf32, #tpu.memory_space<vmem>> -> memref<128x128xf32, #tpu.memory_space<vmem>>
    tpu.wait_dma2 semaphore(%arg17 : memref<!tpu.dma_semaphore, #tpu.memory_space<semaphore_mem>>) src(%dma_wait3A_492 : memref<128x128xf32, #tpu.memory_space<vmem>>) dst(%dma_wait3A_488 : memref<128x128xf32, #tpu.memory_space<hbm>>)
    return
  }
}

</mosaic_0001>

<sc_bundles>
// kernel: kernel.3.cloned.1.call-start
scs
__scs_entry_jumppad:
0x0: {  	(pc) =	sbr.rel $0x88, $3  }
0x1: {  	(tag) =	ssettag $0x0;
	lr =	simm.s32 $0x1  }
0x2: {  	[smem:$0x3F9F] =	sst lr;
	_ =	strace $0xD0000000  }
0x3: {  	_ = 	snop  }
0x4: {  	_ = 	snop  }
0x5: {  	_ = 	snop  }
0x6: {  	_ = 	snop  }
0x7: {  	_ = 	snop  }
__scs_overlays_trampoline_lowered:
0x8: {  	[smem:$0x3FAE] =	sst s0  }
0x9: {  	[smem:$0x3FAF] =	sst s1  }
0xa: {  	[smem:$0x3FB0] =	sst s2  }
0xb: {  	[smem:$0x3FB1] =	sst s3  }
0xc: {  	[smem:$0x3FB2] =	sst s4  }
0xd: {  	[smem:$0x3FB3] =	sst s5  }
0xe: {  	[smem:$0x3FB4] =	sst s6  }
0xf: {  	[smem:$0x3FB5] =	sst s7  }
0x10: {  	[smem:$0x3FB6] =	sst s8  }
0x11: {  	[smem:$0x3FB7] =	sst s9;
	s0 =	simm.s32 @!p0 $0x0  }
0x12: {  	s1 =	sld [smem:$0x3F9D];
	s0 =	simm.s32 @p0 $0x1  }
0x13: {  	[smem:$0x3FB8] =	sst s0;
	s0 =	simm.s32 @!p1 $0x0  }
0x14: {  	s2 =	sld [smem:$0x3F9C];
	s0 =	simm.s32 @p1 $0x1  }
0x15: {  	[smem:$0x3FB9] =	sst s0;
	s0 =	simm.s32 @!p2 $0x0  }
0x16: {  	s3 =	sld [smem:$0x3FDB];
	s0 =	simm.s32 @p2 $0x1  }
0x17: {  	s4 =	simm.s32 $0x1BF5;
	[smem:$0x3FBB] =	sst s0  }
0x18: {  	s0 =	sld [smem:$0x3F9E];
	_ =	swait.ge [sflag:s4], $0x0  }
0x19: {  	s7 =	sld [smem:$0x3F9F]  }
0x1a: {  	s8 =	sadd.s32 $0xFFFFE003, lr  }
0x1b: {  	s9 =	sadd.s32 $0xFFFFFEF7, lr;
	s5 =	simm.s32 $0xFFFFFFFF;
	p2 =	slt.u32 s8, $0xFFFFF086  }
0x1c: {  	p1 =	slt.u32 s9, $0xF7A;
	s5 =	simm.s32 @!p2 $0x0  }
0x1d: {  	s5 =	simm.s32 @p1 $0x1;
	p0 =	seq.s32 s7, s2  }
0x1e: {  	s7 =	smul.u32 @!p0 $0xF7A, s2;
	p2 =	seq.s32 @!p0 s5, $0x0  }
0x1f: {  	s9 =	smul.u32 $0xF7A, s1;
	s8 =	simm.s32 @!p0 $0x1BF5;
	p2 =	por !p2, p0  }
0x20: {  	[sflag:s8] =	ssyncset.s32 @!p0 $0xFFFFF086;
	s6 =	sadd.s32 @!p0 s3, s7;
	s7 =	simm.s32 @!p0 $0x108  }
0x21: {  	s3 =	sadd.s32 s3, s9;
	s6 =	sadd.s32 @!p0 $0x88, s6;
	s7 =	simm.s32 @p2 $0x1082  }
0x22: {  	[simem:s7], [sflag:s8] =	dma.local @!p0 [hbm:s6], $0xF7A  }
0x23: {  	s9 =	sor.u32 $0xD0000000, s2;
	s6 =	simm.s32 $0x108;
	_ =	swait.ge @!p0 [sflag:s8], $0x0  }
0x24: {  	s3 =	sadd.s32 $0x88, s3;
	s6 =	simm.s32 @!p1 $0x1082;
	[sflag:s4] =	ssyncset.s32 $0xFFFFF086  }
0x25: {  	[simem:s6], [sflag:s4] =	dma.local [hbm:s3], $0xF7A  }
0x26: {  	[smem:$0x3F9F] =	sst s1;
	(tag) =	ssettag s2;
	_ =	strace s9  }
0x27: {  	s1 =	sld [smem:$0x3FAF]  }
0x28: {  	s2 =	sld [smem:$0x3FB0]  }
0x29: {  	s4 =	sld [smem:$0x3FB2]  }
0x2a: {  	p0 =	seq.s32 s5, $0x0;
	s5 =	sld [smem:$0x3FB3]  }
0x2b: {  	s6 =	sld [smem:$0x3FB4]  }
0x2c: {  	s7 =	sld [smem:$0x3FB5]  }
0x2d: {  	s3 =	simm.s32 $0x108;
	s8 =	sld [smem:$0x3FB6]  }
0x2e: {  	s3 =	simm.s32 @!p0 $0x1082;
	s9 =	sld [smem:$0x3FB7]  }
0x2f: {  	lr =	sadd.s32 s0, s3;
	s0 =	sld [smem:$0x3FAE]  }
0x30: {  	s3 =	sld [smem:$0x3FB1]  }
0x31: {  	[smem:$0x3FBA] =	sst s10  }
0x32: {  	s10 =	sld [smem:$0x3FB8];
	_ =	sdelay $0x3  }
0x33: {  	p0 =	seq.s32 s10, $0x1;
	s10 =	sld [smem:$0x3FBA];
	_ =	sdelay $0x3  }
0x34: {  	[smem:$0x3FBA] =	sst s10  }
0x35: {  	s10 =	sld [smem:$0x3FB9];
	_ =	sdelay $0x3  }
0x36: {  	p1 =	seq.s32 s10, $0x1;
	s10 =	sld [smem:$0x3FBA];
	_ =	sdelay $0x3  }
0x37: {  	[smem:$0x3FBA] =	sst s10  }
0x38: {  	s10 =	sld [smem:$0x3FBB]  }
0x39: {  	_ = 	snop;
	(pc) =	sbr.ind lr, $3  }
0x3a: {  	_ = 	snop  }
0x3b: {  	_ = 	snop  }
0x3c: {  	p2 =	seq.s32 s10, $0x1;
	s10 =	sld [smem:$0x3FBA]  }
0x3d: {  	_ =	shalt  }
0x3e: {  	_ =	shalt  }
0x3f: {  	_ =	shalt  }
0x40: {  	_ =	shalt  }
0x41: {  	_ =	shalt  }
0x42: {  	_ =	shalt  }
0x43: {  	_ =	shalt  }
0x44: {  	_ =	shalt  }
0x45: {  	_ =	shalt  }
0x46: {  	_ =	shalt  }
0x47: {  	_ =	shalt  }
0x48: {  	_ =	shalt  }
0x49: {  	_ =	shalt  }
0x4a: {  	_ =	shalt  }
0x4b: {  	_ =	shalt  }
0x4c: {  	_ =	shalt  }
0x4d: {  	_ =	shalt  }
0x4e: {  	_ =	shalt  }
0x4f: {  	_ =	shalt  }
0x50: {  	_ =	shalt  }
0x51: {  	_ =	shalt  }
0x52: {  	_ =	shalt  }
0x53: {  	_ =	shalt  }
0x54: {  	_ =	shalt  }
0x55: {  	_ =	shalt  }
0x56: {  	_ =	shalt  }
0x57: {  	_ =	shalt  }
0x58: {  	_ =	shalt  }
0x59: {  	_ =	shalt  }
0x5a: {  	_ =	shalt  }
0x5b: {  	_ =	shalt  }
0x5c: {  	_ =	shalt  }
0x5d: {  	_ =	shalt  }
0x5e: {  	_ =	shalt  }
0x5f: {  	_ =	shalt  }
0x60: {  	_ =	shalt  }
0x61: {  	_ =	shalt  }
0x62: {  	_ =	shalt  }
0x63: {  	_ =	shalt  }
0x64: {  	_ =	shalt  }
0x65: {  	_ =	shalt  }
0x66: {  	_ =	shalt  }
0x67: {  	_ =	shalt  }
0x68: {  	_ =	shalt  }
0x69: {  	_ =	shalt  }
0x6a: {  	_ =	shalt  }
0x6b: {  	_ =	shalt  }
0x6c: {  	_ =	shalt  }
0x6d: {  	_ =	shalt  }
0x6e: {  	_ =	shalt  }
0x6f: {  	_ =	shalt  }
0x70: {  	_ =	shalt  }
0x71: {  	_ =	shalt  }
0x72: {  	_ =	shalt  }
0x73: {  	_ =	shalt  }
0x74: {  	_ =	shalt  }
0x75: {  	_ =	shalt  }
0x76: {  	_ =	shalt  }
0x77: {  	_ =	shalt  }
0x78: {  	_ =	shalt  }
0x79: {  	_ =	shalt  }
0x7a: {  	_ =	shalt  }
0x7b: {  	_ =	shalt  }
0x7c: {  	_ =	shalt  }
0x7d: {  	_ =	shalt  }
0x7e: {  	_ =	shalt  }
0x7f: {  	_ =	shalt  }
0x80: {  	_ =	shalt  }
0x81: {  	_ =	shalt  }
0x82: {  	_ =	shalt  }
0x83: {  	_ =	shalt  }
0x84: {  	_ =	shalt  }
0x85: {  	_ =	shalt  }
0x86: {  	_ =	shalt  }
0x87: {  	_ =	shalt  }
.Lfunc_end0:
.L_simem_size_0:
called_computation_lowered:
.L_overlay_start_0:
0x88: {  	s2 =	sld [smem:$0x3FD9]  }
0x89: {  	s3 =	sld [smem:$0x3FFE];
	_ =	sdelay $0x1  }
0x8a: {  	s1 =	srdreg.scid  }
0x8b: {  	s0 =	sand.u32 $0x1, s1  }
0x8c: {  	s18 =	sshll.u32 s0, $0xA;
	s2 =	sadd.s32 s3, s2  }
0x8d: {  	s2 =	sadd.s32 s2, s18  }
0x8e: {  	[smem:$0x3FC6] =	sst s2  }
0x8f: {  	_ = 	snop  }
0x90: {  	s2 =	sld [smem:$0x3FC9]  }
0x91: {  	s19 =	sld [smem:$0x3FC8]  }
0x92: {  	s4 =	sld [smem:$0x3FD0];
	(tm) =	ssettm $0x1  }
0x93: {  	s5 =	sld [smem:$0x3FFB];
	_ =	sdelay $0x3  }
0x94: {  	_ =	strace s5  }
0x95: {  	s5 =	sld [smem:$0x3FFC];
	_ =	sdelay $0x3  }
0x96: {  	_ =	strace s5  }
0x97: {  	s5 =	sld [smem:$0x3FFD];
	_ =	sdelay $0x3  }
0x98: {  	_ =	strace s5  }
0x99: {  	_ =	strace $0x8FFFFFFF  }
0x9a: {  	s20 =	sld [smem:$0x3FDB];
	_ =	sdelay $0x1  }
0x9b: {  	s6 =	simm.s32 $_scs_section_size  }
0x9c: {  	s7 =	simm.s32 $_size__tile_overlayer_lowered;
	s8 =	simm.s32 $_tile_overlayer_lowered  }
0x9d: {  	s23 =	simm.s32 $0x1BFF;
	s22 =	sshll.u32 s8, $0x1;
	s5 =	sadd.s32 s6, s20  }
0x9e: {  	s9 =	simm.s32 $0x0;
	s21 =	sshll.u32 s7, $0x1;
	s7 =	sadd.s32 s22, s5  }
0x9f: {  	[timem:s9], [sflag:s23] =	dma.local [hbm:s7], s21  }
0xa0: {  	_ =	swait.ge [sflag:s23], s21  }
0xa1: {  	s6 =	ssub.s32 $0x0, s21;
	[sflag:s23] =	ssyncset.done $0x0  }
0xa2: {  	[sflag:s23] =	ssyncadd.s32 s6;
	_ =	sdelay $0x1  }
0xa3: {  	s24 =	simm.s32 $0x1B8B  }
0xa4: {  	_ =	swait.ge [sflag:s24], $0x1  }
0xa5: {  	[sflag:s24] =	ssyncset.done $0x0  }
0xa6: {  	s25 =	simm.s32 $0x1B8E;
	[sflag:s24] =	ssyncadd.s32 $0xFFFFFFFF  }
0xa7: {  	s26 =	simm.s32 $execute0_lowered;
	[smem:$0x3FD2] =	sst s25  }
0xa8: {  	s6 =	sshll.u32 s26, $0x1;
	_ =	strace $0x80000046;
	[dreg:$0x1] =	wrdreg $0xFFFFFFFF  }
0xa9: {  	s28 =	simm.s32 $_size_execute0_lowered;
	s5 =	sadd.s32 s5, s6;
	[dreg:$0x0] =	wrdreg $0x0  }
0xaa: {  	s6 =	sshll.u32 s28, $0x1;
	[dreg:$0x2] =	wrdreg s5  }
0xab: {  	[dreg:$0x3] =	wrdreg s6  }
0xac: {  	[dreg:$0x4] =	wrdreg $0xC0  }
0xad: {  	_ =	task [dreg:s9], $0x5FFFF  }
0xae: {  	[dreg:$0x1] =	wrdreg $0xFFFFFFFF  }
0xaf: {  	[dreg:$0x0] =	wrdreg $0x60  }
0xb0: {  	[dreg:$0x2] =	wrdreg s2  }
0xb1: {  	[dreg:$0x3] =	wrdreg s19  }
0xb2: {  	[dreg:$0x4] =	wrdreg s4  }
0xb3: {  	[dreg:$0x5] =	wrdreg $0x0  }
0xb4: {  	[dreg:$0x6] =	wrdreg $0x9  }
0xb5: {  	_ =	task.clear_ibuf [dreg:s9], $0x7FFFF;
	_ =	strace $0x90000046  }
0xb6: {  	s29 =	simm.s32 $0x9;
	_ =	strace $0x80000048  }
0xb7: {  	_ =	swait.ge [sflag:s29], $0x1  }
0xb8: {  	[sflag:s29] =	ssyncadd.s32 $0xFFFFFFFF  }
0xb9: {  	_ =	strace $0x90000048  }
0xba: {  	_ =	sfence  }
0xbb: {  	s30 =	sld [smem:$0x0];
	_ =	sdelay $0x2  }
0xbc: {  	s31 =	sshll.u32 s1, $0xD;
	s1 =	sshrl.u32 s1, $0x2  }
0xbd: {  	s3 =	sand.u32 $0x4000, s31;
	s1 =	sadd.s32 s1, s30  }
0xbe: {  	s0 =	sor.u32 s3, s0;
	s1 =	sshll.u32 s1, $0x11  }
0xbf: {  	s0 =	sor.u32 s1, s0  }
0xc0: {  	s0 =	sadd.s32 $0x8F2B, s0  }
0xc1: {  	[sflag:s0] =	ssyncadd.remote.s32 $0x1  }
0xc2: {  	_ =	sfence.sel $0xFFFF  }
0xc3: {  	[dreg:$0x0] =	wrdreg $0xFFFFFFFF;
	(pc) =	sbr.abs _section_cstart, $3  }
0xc4: {  	[dreg:$0x1] =	wrdreg $0xFFFFFFFF  }
0xc5: {  	_ =	task.clear_ibuf [dreg:s9], $0x2FFFF;
	_ =	strace $0x9FFFFFFF  }
0xc6: {  	(tm) =	ssettm $0x7FFFFFFF  }
0xc7: {  	_ =	shalt  }
tec
execute0_lowered:
.L_overlay_start_1:
0x0: {  	(tag) =	ssettag $0x1  }
0x1: {  	s3 =	rddreg [dreg:$0x0]  }
0x2: {  	s0 =	rddreg [dreg:$0x1]  }
0x3: {  	s4 =	rddreg [dreg:$0x2]  }
0x4: {  	s5 =	rddreg [dreg:$0x3]  }
0x5: {  	s1 =	stileid.u32;
	s9 =	srdreg.scid;
	s2 =	simm.s32 $0x0  }
0x6: {  	s17 =	simm.s32 $0x200;
	s19 =	simm.s32 $0x380;
	s20 =	simm.s32 $0x400  }
0x7: {  	[dreg:$0x5] =	wrdreg s0;
	s6 =	sshll.u32 s1, $0x1;
	s0 =	sand.u32 $0x1, s9  }
0x8: {  	[smem:$0x7FF] =	sst s2;
	s7 =	sshrl.u32 s1, $0x2;
	s10 =	sshll.u32 s1, $0x6  }
0x9: {  	s6 =	sand.u32 $0x6, s6;
	_ =	strace $0x80000047;
	[dreg:$0xf] =	wrdreg s17  }
0xa: {  	s9 =	sshll.u32 s7, $0x4;
	s7 =	sshll.u32 s7, $0x11;
	[dreg:$0x11] =	wrdreg s19  }
0xb: {  	[dreg:$0x12] =	wrdreg s20;
	s6 =	sor.u32 s0, s6;
	s3 =	sadd.s32 s3, s9  }
0xc: {  	s22 =	rddreg [dreg:$0x5];
	s8 =	sshll.u32 s6, $0xE;
	s6 =	sshll.u32 s6, $0x9  }
0xd: {  	s3 =	sadd.s32 s6, s3;
	s6 =	sor.u32 $0x1C01, s10;
	s10 =	rddreg [dreg:$0xf]  }
0xe: {  	s7 =	sor.u32 s7, s8;
	[dreg:$0x6] =	wrdreg s3  }
0xf: {  	s3 =	sadd.s32 s4, s7;
	[dreg:$0x7] =	wrdreg s6  }
0x10: {  	s4 =	sadd.s32 $0x800, s3;
	s21 =	rddreg [dreg:$0x7]  }
0x11: {  	s11 =	sadd.s32 $0x1000, s3;
	[dreg:$0x8] =	wrdreg s4  }
0x12: {  	s12 =	sadd.s32 $0x1800, s3;
	[dreg:$0x9] =	wrdreg s11  }
0x13: {  	s13 =	sadd.s32 $0x2000, s3;
	[dreg:$0xa] =	wrdreg s12  }
0x14: {  	s14 =	smul.u32 $0xC00, s1;
	s15 =	sadd.s32 $0x2800, s3;
	[dreg:$0xb] =	wrdreg s13  }
0x15: {  	s16 =	sadd.s32 $0x3000, s3;
	[dreg:$0xc] =	wrdreg s15  }
0x16: {  	s6 =	sshrl.u32 s14, $0x2;
	s7 =	sadd.s32 $0x3800, s3;
	[dreg:$0xd] =	wrdreg s16  }
0x17: {  	s4 =	sadd.s32 s6, s5;
	[dreg:$0xe] =	wrdreg s7  }
0x18: {  	s11 =	rddreg [dreg:$0x6];
	s5 =	simm.s32 $0x80;
	s12 =	simm.s32 $0x480  }
0x19: {  	s6 =	simm.s32 $0x300;
	s18 =	sshrl.u32 s4, $0x3;
	[dreg:$0x13] =	wrdreg s12  }
0x1a: {  	[tilespmem:s6], [sflag:$0x2] =	stream.strided.gather [hbm4b:s11+s5], $0x400, s10, s5, $0x38;
	[tilespmem:$0x18700] =	vst v63  }
0x1b: {  	[dreg:$0x10] =	wrdreg s18  }
0x1c: {  	s7 =	simm.s32 $0x2;
	s13 =	rddreg [dreg:$0x10]  }
0x1d: {  	[spmem:s13], [sflag:s21] =	dma.local [hbm:s22], $0x60  }
0x1e: {  	_ =	swait.ge [sflag:s7], $0x400  }
0x1f: {  	[sflag:s7] =	ssyncset.done $0x0  }
0x20: {  	s8 =	simm.s32 $0x1;
	[sflag:s7] =	ssyncadd.s32 $0xFFFFFC00  }
0x21: {  	_ =	swait.ge [sflag:s8], $0x60  }
0x22: {  	[sflag:s8] =	ssyncset.done $0x0  }
0x23: {  	s9 =	simm.s32 $0x700;
	[sflag:s8] =	ssyncadd.s32 $0xFFFFFFA0  }
0x24: {  	[tilespmem:s9], [sflag:$0x3] =	stream.indirect.gather [spmem:s4], $0x80, s6, s5, $0xb8;
	[tilespmem:$0x18700] =	vst v63  }
0x25: {  	s10 =	simm.s32 $0x4700;
	s23 =	rddreg [dreg:$0x11]  }
0x26: {  	[tilespmem:s10], [sflag:$0x4] =	stream.indirect.gather [spmem:s4], $0x80, s23, s5, $0xb8;
	[tilespmem:$0x18700] =	vst v63  }
0x27: {  	s11 =	simm.s32 $0x8700;
	s24 =	rddreg [dreg:$0x12]  }
0x28: {  	[tilespmem:s11], [sflag:$0x5] =	stream.indirect.gather [spmem:s4], $0x80, s24, s5, $0xb8;
	[tilespmem:$0x18700] =	vst v63  }
0x29: {  	s12 =	simm.s32 $0xC700;
	s25 =	rddreg [dreg:$0x13]  }
0x2a: {  	[tilespmem:s12], [sflag:$0x6] =	stream.indirect.gather [spmem:s4], $0x80, s25, s5, $0xb8;
	[tilespmem:$0x18700] =	vst v63  }
0x2b: {  	s26 =	simm.s32 $0x500;
	s14 =	simm.s32 $0x10700  }
0x2c: {  	[tilespmem:s14], [sflag:$0x7] =	stream.indirect.gather [spmem:s4], $0x80, s26, s5, $0xb8;
	[tilespmem:$0x18700] =	vst v63  }
0x2d: {  	s17 =	simm.s32 $0x3;
	s16 =	simm.s32 $0x14700;
	s13 =	simm.s32 $0x580  }
0x2e: {  	[tilespmem:s16], [sflag:$0x8] =	stream.indirect.gather [spmem:s4], $0x80, s13, s5, $0xb8;
	[tilespmem:$0x18700] =	vst v63  }
0x2f: {  	_ =	swait.ge [sflag:s17], $0x4000  }
0x30: {  	[sflag:s17] =	ssyncset.done $0x0  }
0x31: {  	s18 =	simm.s32 $0x4;
	[sflag:s17] =	ssyncadd.s32 $0xFFFFC000  }
0x32: {  	[hbm4b:s3+s2] =	stream.linear.scatter [tilespmem:s9], [sflag:$0x9], $0x4000, $0x38;
	[tilespmem:$0x18700] =	vst v63  }
0x33: {  	_ =	swait.ge [sflag:s18], $0x4000  }
0x34: {  	[sflag:s18] =	ssyncset.done $0x0  }
0x35: {  	s19 =	simm.s32 $0x5;
	s20 =	rddreg [dreg:$0x8];
	[sflag:s18] =	ssyncadd.s32 $0xFFFFC000  }
0x36: {  	[hbm4b:s20+s2] =	stream.linear.scatter [tilespmem:s10], [sflag:$0xA], $0x4000, $0x38;
	[tilespmem:$0x18700] =	vst v63  }
0x37: {  	_ =	swait.ge [sflag:s19], $0x4000  }
0x38: {  	[sflag:s19] =	ssyncset.done $0x0  }
0x39: {  	s20 =	simm.s32 $0x6;
	s21 =	rddreg [dreg:$0x9];
	[sflag:s19] =	ssyncadd.s32 $0xFFFFC000  }
0x3a: {  	[hbm4b:s21+s2] =	stream.linear.scatter [tilespmem:s11], [sflag:$0xB], $0x4000, $0x38;
	[tilespmem:$0x18700] =	vst v63  }
0x3b: {  	_ =	swait.ge [sflag:s20], $0x4000  }
0x3c: {  	[sflag:s20] =	ssyncset.done $0x0  }
0x3d: {  	s21 =	simm.s32 $0x7;
	s22 =	rddreg [dreg:$0xa];
	[sflag:s20] =	ssyncadd.s32 $0xFFFFC000  }
0x3e: {  	[hbm4b:s22+s2] =	stream.linear.scatter [tilespmem:s12], [sflag:$0xC], $0x4000, $0x38;
	[tilespmem:$0x18700] =	vst v63  }
0x3f: {  	_ =	swait.ge [sflag:s21], $0x4000  }
0x40: {  	[sflag:s21] =	ssyncset.done $0x0  }
0x41: {  	s22 =	simm.s32 $0x8;
	s23 =	rddreg [dreg:$0xb];
	[sflag:s21] =	ssyncadd.s32 $0xFFFFC000  }
0x42: {  	[hbm4b:s23+s2] =	stream.linear.scatter [tilespmem:s14], [sflag:$0xD], $0x4000, $0x38;
	[tilespmem:$0x18700] =	vst v63  }
0x43: {  	_ =	swait.ge [sflag:s22], $0x4000  }
0x44: {  	[sflag:s22] =	ssyncset.done $0x0  }
0x45: {  	s23 =	simm.s32 $0x9;
	s24 =	rddreg [dreg:$0xc];
	[sflag:s22] =	ssyncadd.s32 $0xFFFFC000  }
0x46: {  	[hbm4b:s24+s2] =	stream.linear.scatter [tilespmem:s16], [sflag:$0xE], $0x4000, $0x38;
	[tilespmem:$0x18700] =	vst v63  }
0x47: {  	_ =	swait.ge [sflag:s23], $0x4000  }
0x48: {  	[sflag:s23] =	ssyncset.done $0x0  }
0x49: {  	s15 =	simm.s32 $0x600;
	[sflag:s23] =	ssyncadd.s32 $0xFFFFC000  }
0x4a: {  	[tilespmem:s9], [sflag:$0x3] =	stream.indirect.gather [spmem:s4], $0x80, s15, s5, $0xb8;
	[tilespmem:$0x18700] =	vst v63  }
0x4b: {  	_ =	swait.ge [sflag:s17], $0x4000  }
0x4c: {  	[sflag:s17] =	ssyncset.done $0x0  }
0x4d: {  	s25 =	rddreg [dreg:$0xd];
	[sflag:s17] =	ssyncadd.s32 $0xFFFFC000  }
0x4e: {  	[hbm4b:s25+s2] =	stream.linear.scatter [tilespmem:s9], [sflag:$0x9], $0x4000, $0x38;
	[tilespmem:$0x18700] =	vst v63  }
0x4f: {  	s25 =	simm.s32 $0xA  }
0x50: {  	_ =	swait.ge [sflag:s25], $0x4000  }
0x51: {  	[sflag:s25] =	ssyncset.done $0x0  }
0x52: {  	s24 =	simm.s32 $0x680;
	[sflag:s25] =	ssyncadd.s32 $0xFFFFC000  }
0x53: {  	[tilespmem:s10], [sflag:$0x4] =	stream.indirect.gather [spmem:s4], $0x80, s24, s5, $0xb8;
	[tilespmem:$0x18700] =	vst v63  }
0x54: {  	_ =	swait.ge [sflag:s18], $0x4000  }
0x55: {  	[sflag:s18] =	ssyncset.done $0x0  }
0x56: {  	s28 =	rddreg [dreg:$0xe];
	[sflag:s18] =	ssyncadd.s32 $0xFFFFC000  }
0x57: {  	[hbm4b:s28+s2] =	stream.linear.scatter [tilespmem:s10], [sflag:$0xA], $0x4000, $0x38;
	[tilespmem:$0x18700] =	vst v63  }
0x58: {  	s28 =	simm.s32 $0xB  }
0x59: {  	_ =	swait.ge [sflag:s28], $0x4000  }
0x5a: {  	[sflag:s28] =	ssyncset.done $0x0  }
0x5b: {  	s29 =	simm.s32 $0xC;
	[sflag:s28] =	ssyncadd.s32 $0xFFFFC000  }
0x5c: {  	_ =	swait.ge [sflag:s29], $0x4000  }
0x5d: {  	[sflag:s29] =	ssyncset.done $0x0  }
0x5e: {  	s30 =	simm.s32 $0xD;
	[sflag:s29] =	ssyncadd.s32 $0xFFFFC000  }
0x5f: {  	s0 =	ssub.s32 $0x2, s0;
	_ =	swait.ge [sflag:s30], $0x4000  }
0x60: {  	s26 =	sshrl.u32 s0, $0x1;
	[sflag:s30] =	ssyncset.done $0x0  }
0x61: {  	s31 =	simm.s32 $0xE;
	s0 =	ssub.s32 s0, s26;
	[sflag:s30] =	ssyncadd.s32 $0xFFFFC000  }
0x62: {  	s0 =	smax.u32 s0, $0x1;
	_ =	swait.ge [sflag:s31], $0x4000  }
0x63: {  	p0 =	sne.s32 s0, $0x1;
	[sflag:s31] =	ssyncset.done $0x0  }
.Ltmp0:
0x64: {  	[sflag:s31] =	ssyncadd.s32 $0xFFFFC000;
	(pc) =	sbr.rel @!p0 .LBB2_2-.Ltmp0, $4  }
0x65: {  	_ =	swait.ge [sflag:s23], $0x4000  }
0x66: {  	[sflag:s23] =	ssyncset.done $0x0  }
0x67: {  	[sflag:s23] =	ssyncadd.s32 $0xFFFFC000  }
0x68: {  	s0 =	sadd.s32 $0xFFFFFFFF, s0;
	_ =	swait.ge [sflag:s25], $0x4000  }
.LBB2_1:
0x69: {  	s1 =	rddreg [dreg:$0x7]  }
0x6a: {  	s13 =	rddreg [dreg:$0x5]  }
0x6b: {  	s15 =	rddreg [dreg:$0xf]  }
0x6c: {  	[sflag:s25] =	ssyncset.done $0x0;
	s24 =	rddreg [dreg:$0x6]  }
0x6d: {  	s26 =	rddreg [dreg:$0x10];
	[sflag:s25] =	ssyncadd.s32 $0xFFFFC000  }
0x6e: {  	[tilespmem:s6], [sflag:$0x2] =	stream.strided.gather [hbm4b:s24+s5], $0x400, s15, s5, $0x38;
	[tilespmem:$0x18700] =	vst v63  }
0x6f: {  	[spmem:s26], [sflag:s1] =	dma.local [hbm:s13], $0x60  }
0x70: {  	_ =	swait.ge [sflag:s7], $0x400  }
0x71: {  	[sflag:s7] =	ssyncset.done $0x0  }
0x72: {  	[sflag:s7] =	ssyncadd.s32 $0xFFFFFC00  }
0x73: {  	_ =	swait.ge [sflag:s8], $0x60  }
0x74: {  	[sflag:s8] =	ssyncset.done $0x0  }
0x75: {  	[sflag:s8] =	ssyncadd.s32 $0xFFFFFFA0  }
0x76: {  	[tilespmem:s9], [sflag:$0x3] =	stream.indirect.gather [spmem:s4], $0x80, s6, s5, $0xb8;
	[tilespmem:$0x18700] =	vst v63  }
0x77: {  	s15 =	rddreg [dreg:$0x11]  }
0x78: {  	[tilespmem:s10], [sflag:$0x4] =	stream.indirect.gather [spmem:s4], $0x80, s15, s5, $0xb8;
	[tilespmem:$0x18700] =	vst v63  }
0x79: {  	s24 =	rddreg [dreg:$0x12]  }
0x7a: {  	[tilespmem:s11], [sflag:$0x5] =	stream.indirect.gather [spmem:s4], $0x80, s24, s5, $0xb8;
	[tilespmem:$0x18700] =	vst v63  }
0x7b: {  	s26 =	rddreg [dreg:$0x13]  }
0x7c: {  	[tilespmem:s12], [sflag:$0x6] =	stream.indirect.gather [spmem:s4], $0x80, s26, s5, $0xb8;
	[tilespmem:$0x18700] =	vst v63  }
0x7d: {  	s15 =	simm.s32 $0x500  }
0x7e: {  	[tilespmem:s14], [sflag:$0x7] =	stream.indirect.gather [spmem:s4], $0x80, s15, s5, $0xb8;
	[tilespmem:$0x18700] =	vst v63  }
0x7f: {  	s24 =	simm.s32 $0x580  }
0x80: {  	[tilespmem:s16], [sflag:$0x8] =	stream.indirect.gather [spmem:s4], $0x80, s24, s5, $0xb8;
	[tilespmem:$0x18700] =	vst v63  }
0x81: {  	_ =	swait.ge [sflag:s17], $0x4000  }
0x82: {  	[sflag:s17] =	ssyncset.done $0x0  }
0x83: {  	[sflag:s17] =	ssyncadd.s32 $0xFFFFC000  }
0x84: {  	[hbm4b:s3+s2] =	stream.linear.scatter [tilespmem:s9], [sflag:$0x9], $0x4000, $0x38;
	[tilespmem:$0x18700] =	vst v63  }
0x85: {  	_ =	swait.ge [sflag:s18], $0x4000  }
0x86: {  	[sflag:s18] =	ssyncset.done $0x0  }
0x87: {  	s26 =	rddreg [dreg:$0x8];
	[sflag:s18] =	ssyncadd.s32 $0xFFFFC000  }
0x88: {  	[hbm4b:s26+s2] =	stream.linear.scatter [tilespmem:s10], [sflag:$0xA], $0x4000, $0x38;
	[tilespmem:$0x18700] =	vst v63  }
0x89: {  	_ =	swait.ge [sflag:s19], $0x4000  }
0x8a: {  	[sflag:s19] =	ssyncset.done $0x0  }
0x8b: {  	s13 =	rddreg [dreg:$0x9];
	[sflag:s19] =	ssyncadd.s32 $0xFFFFC000  }
0x8c: {  	[hbm4b:s13+s2] =	stream.linear.scatter [tilespmem:s11], [sflag:$0xB], $0x4000, $0x38;
	[tilespmem:$0x18700] =	vst v63  }
0x8d: {  	_ =	swait.ge [sflag:s20], $0x4000  }
0x8e: {  	[sflag:s20] =	ssyncset.done $0x0  }
0x8f: {  	s15 =	rddreg [dreg:$0xa];
	[sflag:s20] =	ssyncadd.s32 $0xFFFFC000  }
0x90: {  	[hbm4b:s15+s2] =	stream.linear.scatter [tilespmem:s12], [sflag:$0xC], $0x4000, $0x38;
	[tilespmem:$0x18700] =	vst v63  }
0x91: {  	_ =	swait.ge [sflag:s21], $0x4000  }
0x92: {  	[sflag:s21] =	ssyncset.done $0x0  }
0x93: {  	s24 =	rddreg [dreg:$0xb];
	[sflag:s21] =	ssyncadd.s32 $0xFFFFC000  }
0x94: {  	[hbm4b:s24+s2] =	stream.linear.scatter [tilespmem:s14], [sflag:$0xD], $0x4000, $0x38;
	[tilespmem:$0x18700] =	vst v63  }
0x95: {  	_ =	swait.ge [sflag:s22], $0x4000  }
0x96: {  	[sflag:s22] =	ssyncset.done $0x0  }
0x97: {  	s26 =	rddreg [dreg:$0xc];
	[sflag:s22] =	ssyncadd.s32 $0xFFFFC000  }
0x98: {  	[hbm4b:s26+s2] =	stream.linear.scatter [tilespmem:s16], [sflag:$0xE], $0x4000, $0x38;
	[tilespmem:$0x18700] =	vst v63  }
0x99: {  	_ =	swait.ge [sflag:s23], $0x4000  }
0x9a: {  	[sflag:s23] =	ssyncset.done $0x0  }
0x9b: {  	s13 =	simm.s32 $0x600;
	[sflag:s23] =	ssyncadd.s32 $0xFFFFC000  }
0x9c: {  	[tilespmem:s9], [sflag:$0x3] =	stream.indirect.gather [spmem:s4], $0x80, s13, s5, $0xb8;
	[tilespmem:$0x18700] =	vst v63  }
0x9d: {  	_ =	swait.ge [sflag:s17], $0x4000  }
0x9e: {  	[sflag:s17] =	ssyncset.done $0x0  }
0x9f: {  	s15 =	rddreg [dreg:$0xd];
	[sflag:s17] =	ssyncadd.s32 $0xFFFFC000  }
0xa0: {  	[hbm4b:s15+s2] =	stream.linear.scatter [tilespmem:s9], [sflag:$0x9], $0x4000, $0x38;
	[tilespmem:$0x18700] =	vst v63  }
0xa1: {  	_ =	swait.ge [sflag:s25], $0x4000  }
0xa2: {  	[sflag:s25] =	ssyncset.done $0x0  }
0xa3: {  	s24 =	simm.s32 $0x680;
	[sflag:s25] =	ssyncadd.s32 $0xFFFFC000  }
0xa4: {  	[tilespmem:s10], [sflag:$0x4] =	stream.indirect.gather [spmem:s4], $0x80, s24, s5, $0xb8;
	[tilespmem:$0x18700] =	vst v63  }
0xa5: {  	_ =	swait.ge [sflag:s18], $0x4000  }
0xa6: {  	[sflag:s18] =	ssyncset.done $0x0  }
0xa7: {  	s26 =	rddreg [dreg:$0xe];
	[sflag:s18] =	ssyncadd.s32 $0xFFFFC000  }
0xa8: {  	[hbm4b:s26+s2] =	stream.linear.scatter [tilespmem:s10], [sflag:$0xA], $0x4000, $0x38;
	[tilespmem:$0x18700] =	vst v63  }
0xa9: {  	_ =	swait.ge [sflag:s28], $0x4000  }
0xaa: {  	[sflag:s28] =	ssyncset.done $0x0  }
0xab: {  	[sflag:s28] =	ssyncadd.s32 $0xFFFFC000  }
0xac: {  	_ =	swait.ge [sflag:s29], $0x4000  }
0xad: {  	[sflag:s29] =	ssyncset.done $0x0  }
0xae: {  	[sflag:s29] =	ssyncadd.s32 $0xFFFFC000  }
0xaf: {  	_ =	swait.ge [sflag:s30], $0x4000  }
0xb0: {  	[sflag:s30] =	ssyncset.done $0x0  }
0xb1: {  	[sflag:s30] =	ssyncadd.s32 $0xFFFFC000  }
0xb2: {  	_ =	swait.ge [sflag:s31], $0x4000  }
0xb3: {  	p0 =	sne.s32 s0, $0x1;
	[sflag:s31] =	ssyncset.done $0x0  }
.Ltmp1:
0xb4: {  	[sflag:s31] =	ssyncadd.s32 $0xFFFFC000;
	(pc) =	sbr.rel @p0 .LBB2_1-.Ltmp1, $4  }
0xb5: {  	_ =	swait.ge [sflag:s23], $0x4000  }
0xb6: {  	[sflag:s23] =	ssyncset.done $0x0  }
0xb7: {  	[sflag:s23] =	ssyncadd.s32 $0xFFFFC000  }
0xb8: {  	s0 =	sadd.s32 $0xFFFFFFFF, s0;
	_ =	swait.ge [sflag:s25], $0x4000  }
.LBB2_2:
0xb9: {  	[sflag:s25] =	ssyncset.done $0x0  }
0xba: {  	[sflag:s25] =	ssyncadd.s32 $0xFFFFC000  }
0xbb: {  	_ =	sfence.sel $0x180000  }
0xbc: {  	[bflag:$0x0] =	sbarrier.arrive $0xFFFF  }
0xbd: {  	_ =	strace $0x90000047  }
0xbe: {  	s0 =	stileid.u32;
	[bflag:$0x2] =	sbarrier.arrive $0xFFFF  }
0xbf: {  	p0 =	sne.s32 s0, $0x0;
	s0 =	rddreg [dreg:$0x4]  }
0xc0: {  	s0 =	sadd.s32 @!p0 $0x100000, s0  }
0xc1: {  	[sflag:s0] =	ssyncadd.tile.s32 @!p0 $0x1;
	_ =	shalt  }
.Lfunc_end2:
_tile_overlayer_lowered:
.L_overlay_start_2:
0xc2: {  	(tag) =	ssettag $0x2  }
0xc3: {  	s0 =	rddreg [dreg:$0x0];
	s2 =	stileid.u32  }
0xc4: {  	s1 =	rddreg [dreg:$0x1];
	p0 =	sne.s32 s2, $0x0  }
0xc5: {  	s3 =	rddreg [dreg:$0x2];
	[bflag:$0x3] =	sbarrier.arrive $0xFFFF;
	s2 =	simm.s32 @!p0 $0x1C0F  }
0xc6: {  	[timem:s3], [sflag:s2] =	dma.local @!p0 [hbm:s0], s1  }
0xc7: {  	s0 =	simm.s32 @!p0 $0xF  }
0xc8: {  	_ =	swait.ge @!p0 [sflag:s0], s1  }
0xc9: {  	s1 =	ssub.s32 @!p0 $0x0, s1;
	[sflag:s0] =	ssyncset.done @!p0 $0x0  }
0xca: {  	[sflag:s0] =	ssyncadd.s32 @!p0 s1  }
0xcb: {  	[bflag:$0x3] =	sbarrier.arrive $0xFFFF  }
0xcc: {  	_ =	shalt  }

</sc_bundles>
